<compile_context>
chip_gen: v7x
topology: tpu7x:2x2x1
jax: 0.10.2.dev20260603
libtpu: 0.0.44.dev20260713+nightly
codegen_flags: <defaults>
</compile_context>

<pallas_src>
import functools

import jax
import jax.numpy as jnp
from jax import lax
from jax.experimental import pallas as pl
from jax.experimental.pallas import tpu as pltpu
from jax.experimental.pallas import tpu_sc as plsc

_LANES = 16
_NW = 32


def _tc_assign_pool(x, W, b2, gn, n_per, row_blk):
    N, d = x.shape
    P = W.shape[1]
    B = N // n_per
    nblk = N // row_blk

    def body(x_ref, w_ref, b_ref, g_ref, out_ref, cnt_ref, ent_ref, c_ref):
        i = pl.program_id(0)
        xb = x_ref[...]
        z = lax.dot_general(xb.astype(jnp.bfloat16),
                            w_ref[...].astype(jnp.bfloat16),
                            (((1,), (0,)), ((), ())),
                            preferred_element_type=jnp.float32)
        z = z + b_ref[...] + g_ref[...]
        m = jnp.max(z, axis=-1, keepdims=True)
        e = jnp.exp(z - m)
        y = e / jnp.sum(e, axis=-1, keepdims=True)
        ym = jnp.max(y, axis=-1, keepdims=True)
        iota_p = lax.broadcasted_iota(jnp.int32, y.shape, 1)
        cmin = jnp.min(jnp.where(y == ym, iota_p, P), axis=-1,
                       keepdims=True)
        sval = (1.0 + ym) - ym
        entb = jnp.sum(-sval * jnp.log(sval + 1e-15), keepdims=True)
        rowid = i * row_blk + lax.broadcasted_iota(jnp.int32, (row_blk, 1), 0)
        q = (rowid // n_per) * P + cmin
        oh = (lax.broadcasted_iota(jnp.int32, (row_blk, B * P), 1)
              == q).astype(jnp.float32)
        outb = lax.dot_general(oh.astype(jnp.bfloat16),
                               xb.astype(jnp.bfloat16),
                               (((0,), (0,)), ((), ())),
                               preferred_element_type=jnp.float32)
        cntb = jnp.sum(oh, axis=0, keepdims=True)

        @pl.when(i == 0)
        def _():
            out_ref[...] = jnp.zeros_like(out_ref)
            cnt_ref[...] = jnp.zeros_like(cnt_ref)
            ent_ref[...] = jnp.zeros_like(ent_ref)

        out_ref[...] += outb
        cnt_ref[...] += cntb
        ent_ref[...] += entb
        c_ref[...] = jnp.transpose(cmin).reshape(1, 1, row_blk)

    return pl.pallas_call(
        body,
        grid=(nblk,),
        in_specs=[
            pl.BlockSpec((row_blk, d), lambda i: (i, 0)),
            pl.BlockSpec((d, P), lambda i: (0, 0)),
            pl.BlockSpec((1, P), lambda i: (0, 0)),
            pl.BlockSpec((row_blk, P), lambda i: (i, 0)),
        ],
        out_specs=[
            pl.BlockSpec((B * P, d), lambda i: (0, 0)),
            pl.BlockSpec((1, B * P), lambda i: (0, 0)),
            pl.BlockSpec((1, 1), lambda i: (0, 0)),
            pl.BlockSpec((1, 1, row_blk), lambda i: (i, 0, 0)),
        ],
        out_shape=[
            jax.ShapeDtypeStruct((B * P, d), jnp.float32),
            jax.ShapeDtypeStruct((1, B * P), jnp.float32),
            jax.ShapeDtypeStruct((1, 1), jnp.float32),
            jax.ShapeDtypeStruct((N // row_blk, 1, row_blk), jnp.int32),
        ],
    )(x, W, b2, gn)


def _sc_edge_tables(c, src, dst, ew, P):
    N = c.shape[0]
    E_total = src.shape[0]
    E_w = E_total // _NW
    EV = ((E_w + _LANES - 1) // _LANES) * _LANES
    tail = E_w % _LANES
    PP = P * P
    mesh = plsc.VectorSubcoreMesh(core_axis_name="c", subcore_axis_name="s")

    @functools.partial(
        pl.kernel,
        out_type=jax.ShapeDtypeStruct((_NW, PP), jnp.float32),
        mesh=mesh,
        compiler_params=pltpu.CompilerParams(needs_layout_passes=False),
        scratch_types=[
            pltpu.VMEM((N,), jnp.int32),
            pltpu.VMEM((EV,), jnp.int32),
            pltpu.VMEM((EV,), jnp.int32),
            pltpu.VMEM((EV,), jnp.float32),
            pltpu.VMEM((_LANES * PP,), jnp.float32),
            pltpu.VMEM((PP,), jnp.float32),
        ],
    )
    def k(c_hbm, src_hbm, dst_hbm, ew_hbm, out_hbm,
          c_v, src_v, dst_v, ew_v, tab_v, red_v):
        wid = lax.axis_index("s") * 2 + lax.axis_index("c")
        base = wid * E_w
        pltpu.sync_copy(c_hbm, c_v)
        pltpu.sync_copy(src_hbm.at[pl.ds(base, E_w)], src_v.at[pl.ds(0, E_w)])
        pltpu.sync_copy(dst_hbm.at[pl.ds(base, E_w)], dst_v.at[pl.ds(0, E_w)])
        pltpu.sync_copy(ew_hbm.at[pl.ds(base, E_w)], ew_v.at[pl.ds(0, E_w)])

        lane = lax.iota(jnp.int32, _LANES)
        zeros16 = jnp.zeros((_LANES,), jnp.float32)

        if tail:
            toff = E_w - tail
            kmask = lane < tail
            src_v[pl.ds(toff, _LANES)] = jnp.where(
                kmask, src_v[pl.ds(toff, _LANES)], 0)
            dst_v[pl.ds(toff, _LANES)] = jnp.where(
                kmask, dst_v[pl.ds(toff, _LANES)], 0)
            ew_v[pl.ds(toff, _LANES)] = jnp.where(
                kmask, ew_v[pl.ds(toff, _LANES)], 0.0)

        @plsc.parallel_loop(0, _LANES * PP, _LANES, unroll=16)
        def zero_body(j):
            tab_v[pl.ds(j, _LANES)] = zeros16

        lane_off = lane * PP

        @plsc.parallel_loop(0, EV, _LANES, unroll=8)
        def edge_body(e):
            sv = src_v[pl.ds(e, _LANES)]
            dv = dst_v[pl.ds(e, _LANES)]
            wv = ew_v[pl.ds(e, _LANES)]
            cs = plsc.load_gather(c_v, [sv])
            cd = plsc.load_gather(c_v, [dv])
            idx = lane_off + cs * P + cd
            plsc.addupdate_scatter(tab_v, [idx], wv)

        @plsc.parallel_loop(0, PP, _LANES, unroll=4)
        def red_body(j):
            acc = tab_v[pl.ds(j, _LANES)]
            for l in range(1, _LANES):
                acc = acc + tab_v[pl.ds(l * PP + j, _LANES)]
            red_v[pl.ds(j, _LANES)] = acc

        pltpu.sync_copy(red_v, out_hbm.at[wid])

    return k(c, src, dst, ew)


def _tc_combine(tables, cnt, ent_sum, ew2d, P, N):
    B, E_per = ew2d.shape
    PP = P * P
    wpg = _NW // B

    def body(tab_ref, cnt_ref, ent_ref, ew_ref, adj_ref, link_ref, ent2_ref):
        t = tab_ref[...].reshape(B, wpg, PP)
        t8 = t[:, 0, :]
        for j in range(1, wpg):
            t8 = t8 + t[:, j, :]
        adj_ref[...] = t8
        iota_c = lax.broadcasted_iota(jnp.int32, (B, PP), 1)
        dmask = (iota_c % (P + 1) == 0).astype(jnp.float32)
        diag = jnp.sum(t8 * dmask, axis=1, keepdims=True)
        ew = ew_ref[...]
        ew2 = jnp.sum(ew * ew, axis=1, keepdims=True)
        cn = cnt_ref[...]
        gsel = (lax.broadcasted_iota(jnp.int32, (B, B * P), 1) // P
                == lax.broadcasted_iota(jnp.int32, (B, B * P), 0)
                ).astype(jnp.float32)
        cnt2 = lax.dot_general(gsel, cn * cn, (((1,), (1,)), ((), ())),
                               precision=lax.Precision.HIGHEST,
                               preferred_element_type=jnp.float32)
        link_g = jnp.sqrt(cnt2 + ew2 - 2.0 * diag) * (1.0 / E_per)
        link_ref[...] = jnp.sum(link_g, axis=0, keepdims=True) * (1.0 / B)
        ent2_ref[...] = ent_ref[...] * (1.0 / N)

    return pl.pallas_call(
        body,
        out_shape=[
            jax.ShapeDtypeStruct((B, PP), jnp.float32),
            jax.ShapeDtypeStruct((1, 1), jnp.float32),
            jax.ShapeDtypeStruct((1, 1), jnp.float32),
        ],
    )(tables, cnt, ent_sum, ew2d)


def kernel(x, edge_index, batch_ptr, edge_weight, W, b):
    N, d = x.shape
    P = W.shape[1]
    B = batch_ptr.shape[0] - 1
    n_per = N // B
    E_total = edge_index.shape[1]
    E_per = E_total // B

    u = jax.random.uniform(jax.random.key(1), (N, P),
                           minval=1e-9, maxval=1.0)
    gn = -jnp.log(-jnp.log(u))

    row_blk = 2000 if N % 2000 == 0 else N
    out, cnt, ent_sum, c_col = _tc_assign_pool(
        x, W, b.reshape(1, P).astype(jnp.float32), gn, n_per, row_blk)

    tables = _sc_edge_tables(c_col.reshape(N),
                             edge_index[0].astype(jnp.int32),
                             edge_index[1].astype(jnp.int32),
                             edge_weight.astype(jnp.float32), P)

    adj_flat, link11, ent11 = _tc_combine(
        tables, cnt, ent_sum, edge_weight.reshape(B, E_per), P, N)

    out_adj = adj_flat.reshape(B, P, P)
    link_total = link11.reshape(())
    ent_total = ent11.reshape(())
    batch = jnp.repeat(jnp.arange(B), P)
    batch_ptr_out = jnp.arange(0, (B + 1) * P, P)
    return (out, out_adj, link_total, ent_total, batch, batch_ptr_out)

# --- scband reference (transcript-rebuilt; emitter-appended) ---
"""Pipeline reference for scband-stoch-pool-72559177499179 (READ-ONLY COPY).

The authoritative reference and input builder live on the scoring server;
editing this copy changes nothing except your own understanding.
"""

import jax, jax.numpy as jnp
import numpy as np


def _gumbel_softmax_hard(key, logits, tau=1.0):
    u = jax.random.uniform(key, logits.shape, minval=1e-9, maxval=1.0)
    g = -jnp.log(-jnp.log(u))
    y = jax.nn.softmax((logits + g) / tau, axis=-1)
    y_hard = jax.nn.one_hot(jnp.argmax(y, axis=-1), logits.shape[-1], dtype=y.dtype)
    # straight-through estimator, same as torch gumbel_softmax(hard=True)
    return y_hard + y - jax.lax.stop_gradient(y)


def setup_inputs(seed: int = 0):
    key = jax.random.key(seed)
    N, B, d, P = 10000, 8, 256, 64
    n_per = N // B
    E_per = 20000
    kx, ks, kd, kw, kW = jax.random.split(key, 5)
    x = jax.random.normal(kx, (N, d), dtype=jnp.float32)
    offs = (jnp.arange(B) * n_per)[:, None]
    src = jax.random.randint(ks, (B, E_per), 0, n_per) + offs
    dst = jax.random.randint(kd, (B, E_per), 0, n_per) + offs
    edge_index = jnp.stack([src.reshape(-1), dst.reshape(-1)])
    edge_weight = jax.random.uniform(kw, (B * E_per,), dtype=jnp.float32)
    batch_ptr = jnp.arange(0, N + 1, n_per)
    W = jax.random.normal(kW, (d, P), dtype=jnp.float32) * 0.05
    b = jnp.zeros((P,), dtype=jnp.float32)
    return {"x": x, "edge_index": edge_index, "batch_ptr": batch_ptr,
            "edge_weight": edge_weight, "W": W, "b": b}


def reference(x, edge_index, batch_ptr, edge_weight, W, b):
    normalize = True
    num_batches = batch_ptr.shape[0] - 1
    N = x.shape[0]
    d = x.shape[1]
    n_per = N // num_batches
    E_total = edge_index.shape[1]
    E_per = E_total // num_batches
    logits = x @ W + b
    P = logits.shape[-1]
    s = _gumbel_softmax_hard(jax.random.key(1), logits)
    outs, adjs = [], []
    link_total = jnp.zeros((), dtype=jnp.float32)
    ent_total = jnp.zeros((), dtype=jnp.float32)
    for g in range(num_batches):
        lo = batch_ptr[g]
        n_g = n_per
        src = edge_index[0, g * E_per:(g + 1) * E_per] - lo
        dst = edge_index[1, g * E_per:(g + 1) * E_per] - lo
        ew = jax.lax.dynamic_slice(edge_weight, (g * E_per,), (E_per,))
        x_g = jax.lax.dynamic_slice(x, (lo, 0), (n_per, d))
        s_g = jax.lax.dynamic_slice(s, (lo, 0), (n_per, P))
        # dense equivalent of torch.sparse_coo_tensor + coalesce (duplicate edges accumulate)
        A = jnp.zeros((n_g, n_g), dtype=x.dtype).at[src, dst].add(ew)
        out_g = s_g.T @ x_g
        out_adj_g = s_g.T @ (A @ s_g)
        # ||A - S S^T||_F equals the torch 2-norm over coalesced sparse values
        link = jnp.sqrt(jnp.sum((A - s_g @ s_g.T) ** 2))
        if normalize:
            link = link / float(E_per)
        ent = jnp.mean(jnp.sum(-s_g * jnp.log(s_g + 1e-15), axis=-1))
        outs.append(out_g)
        adjs.append(out_adj_g)
        link_total = link_total + link
        ent_total = ent_total + ent
    out = jnp.concatenate(outs, axis=0)
    out_adj = jnp.stack(adjs, axis=0)  # dense [B, P, P]; torch returns this as COO indices/values
    link_total = link_total / num_batches
    ent_total = ent_total / num_batches
    batch = jnp.repeat(jnp.arange(num_batches), P)
    batch_ptr_out = jnp.arange(0, (num_batches + 1) * P, P)
    return (out, out_adj, link_total, ent_total, batch, batch_ptr_out)

if __name__ == "__main__":
    import jax
    _d = setup_inputs()
    print(jax.jit(kernel)(*tuple(_d.values())))

</pallas_src>

<mosaic_0001>
#map = affine_map<(d0, d1) -> (0)>
#map1 = affine_map<(d0, d1) -> (0, 0)>
module attributes {stable_mosaic.version = 14 : i64} {
  func.func @k(%arg0: i32, %arg1: i32, %arg2: memref<10000xi32, #tpu.memory_space<hbm>>, %arg3: memref<160000xi32, #tpu.memory_space<hbm>>, %arg4: memref<160000xi32, #tpu.memory_space<hbm>>, %arg5: memref<160000xf32, #tpu.memory_space<hbm>>, %arg6: memref<32x4096xf32, #tpu.memory_space<hbm>>, %arg7: memref<10000xi32, #tpu.memory_space<vmem>>, %arg8: memref<5008xi32, #tpu.memory_space<vmem>>, %arg9: memref<5008xi32, #tpu.memory_space<vmem>>, %arg10: memref<5008xf32, #tpu.memory_space<vmem>>, %arg11: memref<65536xf32, #tpu.memory_space<vmem>>, %arg12: memref<4096xf32, #tpu.memory_space<vmem>>) attributes {dimension_semantics = [#tpu.dimension_semantics<core_parallel>, #tpu.dimension_semantics<subcore_parallel>], iteration_bounds = array<i64: 2, 16>, scalar_prefetch = 0 : i64, scratch_operands = 6 : i64, tpu.core_type = #tpu.core_type<sc_vector_subcore>, window_params = [{transform_indices = #map}, {transform_indices = #map}, {transform_indices = #map}, {transform_indices = #map}, {transform_indices = #map1}]} {
    %mul3A = arith.constant 2 : i32
    %mul3A_0 = arith.muli %arg1, %mul3A : i32
    %add3A = arith.addi %mul3A_0, %arg0 : i32
    %mul3A_1 = arith.constant 5000 : i32
    %mul3A_2 = arith.muli %add3A, %mul3A_1 : i32
    "tpu.region"() ({
      %run_scoped3A = tpu.sem_alloc : memref<!tpu.dma_semaphore, #tpu.memory_space<semaphore_mem>>
      tpu.enqueue_dma source(%arg2 : memref<10000xi32, #tpu.memory_space<hbm>>) target(%arg7 : memref<10000xi32, #tpu.memory_space<vmem>>) target_semaphore(%run_scoped3A : memref<!tpu.dma_semaphore, #tpu.memory_space<semaphore_mem>>)
      tpu.wait_dma2 semaphore(%run_scoped3A : memref<!tpu.dma_semaphore, #tpu.memory_space<semaphore_mem>>) src(%arg2 : memref<10000xi32, #tpu.memory_space<hbm>>) dst(%arg7 : memref<10000xi32, #tpu.memory_space<vmem>>)
      tpu.yield
    }) : () -> ()
    "tpu.region"() ({
      %run_scoped3A = tpu.sem_alloc : memref<!tpu.dma_semaphore, #tpu.memory_space<semaphore_mem>>
      %dma_start3A = arith.constant 0 : i32
      %dma_start3A_34 = tpu.memref_slice %arg8[%dma_start3A] : memref<5008xi32, #tpu.memory_space<vmem>> -> memref<5000xi32, #tpu.memory_space<vmem>>
      %dma_start3A_35 = tpu.memref_slice %arg3[%mul3A_2] : memref<160000xi32, #tpu.memory_space<hbm>> -> memref<5000xi32, #tpu.memory_space<hbm>>
      %dma_start3A_36 = arith.constant 0 : i32
      %dma_start3A_37 = tpu.memref_slice %arg8[%dma_start3A_36] : memref<5008xi32, #tpu.memory_space<vmem>> -> memref<5000xi32, #tpu.memory_space<vmem>>
      %dma_start3A_38 = tpu.memref_slice %arg3[%mul3A_2] : memref<160000xi32, #tpu.memory_space<hbm>> -> memref<5000xi32, #tpu.memory_space<hbm>>
      tpu.enqueue_dma source(%dma_start3A_38 : memref<5000xi32, #tpu.memory_space<hbm>>) target(%dma_start3A_37 : memref<5000xi32, #tpu.memory_space<vmem>>) target_semaphore(%run_scoped3A : memref<!tpu.dma_semaphore, #tpu.memory_space<semaphore_mem>>)
      %dma_wait3A = arith.constant 0 : i32
      %dma_wait3A_39 = tpu.memref_slice %arg8[%dma_wait3A] : memref<5008xi32, #tpu.memory_space<vmem>> -> memref<5000xi32, #tpu.memory_space<vmem>>
      %dma_wait3A_40 = tpu.memref_slice %arg3[%mul3A_2] : memref<160000xi32, #tpu.memory_space<hbm>> -> memref<5000xi32, #tpu.memory_space<hbm>>
      %dma_wait3A_41 = arith.constant 0 : i32
      %dma_wait3A_42 = tpu.memref_slice %arg8[%dma_wait3A_41] : memref<5008xi32, #tpu.memory_space<vmem>> -> memref<5000xi32, #tpu.memory_space<vmem>>
      %dma_wait3A_43 = tpu.memref_slice %arg3[%mul3A_2] : memref<160000xi32, #tpu.memory_space<hbm>> -> memref<5000xi32, #tpu.memory_space<hbm>>
      tpu.wait_dma2 semaphore(%run_scoped3A : memref<!tpu.dma_semaphore, #tpu.memory_space<semaphore_mem>>) src(%dma_wait3A_43 : memref<5000xi32, #tpu.memory_space<hbm>>) dst(%dma_wait3A_42 : memref<5000xi32, #tpu.memory_space<vmem>>)
      tpu.yield
    }) : () -> ()
    "tpu.region"() ({
      %run_scoped3A = tpu.sem_alloc : memref<!tpu.dma_semaphore, #tpu.memory_space<semaphore_mem>>
      %dma_start3A = arith.constant 0 : i32
      %dma_start3A_34 = tpu.memref_slice %arg9[%dma_start3A] : memref<5008xi32, #tpu.memory_space<vmem>> -> memref<5000xi32, #tpu.memory_space<vmem>>
      %dma_start3A_35 = tpu.memref_slice %arg4[%mul3A_2] : memref<160000xi32, #tpu.memory_space<hbm>> -> memref<5000xi32, #tpu.memory_space<hbm>>
      %dma_start3A_36 = arith.constant 0 : i32
      %dma_start3A_37 = tpu.memref_slice %arg9[%dma_start3A_36] : memref<5008xi32, #tpu.memory_space<vmem>> -> memref<5000xi32, #tpu.memory_space<vmem>>
      %dma_start3A_38 = tpu.memref_slice %arg4[%mul3A_2] : memref<160000xi32, #tpu.memory_space<hbm>> -> memref<5000xi32, #tpu.memory_space<hbm>>
      tpu.enqueue_dma source(%dma_start3A_38 : memref<5000xi32, #tpu.memory_space<hbm>>) target(%dma_start3A_37 : memref<5000xi32, #tpu.memory_space<vmem>>) target_semaphore(%run_scoped3A : memref<!tpu.dma_semaphore, #tpu.memory_space<semaphore_mem>>)
      %dma_wait3A = arith.constant 0 : i32
      %dma_wait3A_39 = tpu.memref_slice %arg9[%dma_wait3A] : memref<5008xi32, #tpu.memory_space<vmem>> -> memref<5000xi32, #tpu.memory_space<vmem>>
      %dma_wait3A_40 = tpu.memref_slice %arg4[%mul3A_2] : memref<160000xi32, #tpu.memory_space<hbm>> -> memref<5000xi32, #tpu.memory_space<hbm>>
      %dma_wait3A_41 = arith.constant 0 : i32
      %dma_wait3A_42 = tpu.memref_slice %arg9[%dma_wait3A_41] : memref<5008xi32, #tpu.memory_space<vmem>> -> memref<5000xi32, #tpu.memory_space<vmem>>
      %dma_wait3A_43 = tpu.memref_slice %arg4[%mul3A_2] : memref<160000xi32, #tpu.memory_space<hbm>> -> memref<5000xi32, #tpu.memory_space<hbm>>
      tpu.wait_dma2 semaphore(%run_scoped3A : memref<!tpu.dma_semaphore, #tpu.memory_space<semaphore_mem>>) src(%dma_wait3A_43 : memref<5000xi32, #tpu.memory_space<hbm>>) dst(%dma_wait3A_42 : memref<5000xi32, #tpu.memory_space<vmem>>)
      tpu.yield
    }) : () -> ()
    "tpu.region"() ({
      %run_scoped3A = tpu.sem_alloc : memref<!tpu.dma_semaphore, #tpu.memory_space<semaphore_mem>>
      %dma_start3A = arith.constant 0 : i32
      %dma_start3A_34 = tpu.memref_slice %arg10[%dma_start3A] : memref<5008xf32, #tpu.memory_space<vmem>> -> memref<5000xf32, #tpu.memory_space<vmem>>
      %dma_start3A_35 = tpu.memref_slice %arg5[%mul3A_2] : memref<160000xf32, #tpu.memory_space<hbm>> -> memref<5000xf32, #tpu.memory_space<hbm>>
      %dma_start3A_36 = arith.constant 0 : i32
      %dma_start3A_37 = tpu.memref_slice %arg10[%dma_start3A_36] : memref<5008xf32, #tpu.memory_space<vmem>> -> memref<5000xf32, #tpu.memory_space<vmem>>
      %dma_start3A_38 = tpu.memref_slice %arg5[%mul3A_2] : memref<160000xf32, #tpu.memory_space<hbm>> -> memref<5000xf32, #tpu.memory_space<hbm>>
      tpu.enqueue_dma source(%dma_start3A_38 : memref<5000xf32, #tpu.memory_space<hbm>>) target(%dma_start3A_37 : memref<5000xf32, #tpu.memory_space<vmem>>) target_semaphore(%run_scoped3A : memref<!tpu.dma_semaphore, #tpu.memory_space<semaphore_mem>>)
      %dma_wait3A = arith.constant 0 : i32
      %dma_wait3A_39 = tpu.memref_slice %arg10[%dma_wait3A] : memref<5008xf32, #tpu.memory_space<vmem>> -> memref<5000xf32, #tpu.memory_space<vmem>>
      %dma_wait3A_40 = tpu.memref_slice %arg5[%mul3A_2] : memref<160000xf32, #tpu.memory_space<hbm>> -> memref<5000xf32, #tpu.memory_space<hbm>>
      %dma_wait3A_41 = arith.constant 0 : i32
      %dma_wait3A_42 = tpu.memref_slice %arg10[%dma_wait3A_41] : memref<5008xf32, #tpu.memory_space<vmem>> -> memref<5000xf32, #tpu.memory_space<vmem>>
      %dma_wait3A_43 = tpu.memref_slice %arg5[%mul3A_2] : memref<160000xf32, #tpu.memory_space<hbm>> -> memref<5000xf32, #tpu.memory_space<hbm>>
      tpu.wait_dma2 semaphore(%run_scoped3A : memref<!tpu.dma_semaphore, #tpu.memory_space<semaphore_mem>>) src(%dma_wait3A_43 : memref<5000xf32, #tpu.memory_space<hbm>>) dst(%dma_wait3A_42 : memref<5000xf32, #tpu.memory_space<vmem>>)
      tpu.yield
    }) : () -> ()
    %iota3A = tpu.iota {dimensions = array<i32: 0>} : vector<16xi32>
    %broadcast_in_dim3A = arith.constant 0.000000e+00 : f32
    %broadcast_in_dim3A_3 = vector.broadcast %broadcast_in_dim3A : f32 to vector<16xf32>
    %lt3A = arith.constant 8 : i32
    %lt3A_4 = vector.broadcast %lt3A : i32 to vector<16xi32>
    %lt3A_5 = arith.cmpi slt, %iota3A, %lt3A_4 : vector<16xi32>
    %get3A = arith.constant 4992 : index
    %get3A_6 = tpu.vector_load %arg8[%get3A] {strides = array<i32>} : memref<5008xi32, #tpu.memory_space<vmem>>, vector<16xi32>,
    %jit3A = arith.constant 0 : i32
    %broadcast_in_dim3A_7 = vector.broadcast %jit3A : i32 to vector<16xi32>
    %select_n3A = arith.select %lt3A_5, %get3A_6, %broadcast_in_dim3A_7 : vector<16xi1>, vector<16xi32>
    %swap3A = arith.constant 4992 : index
    %swap3A_8 = tpu.vector_load %arg8[%swap3A] {strides = array<i32>} : memref<5008xi32, #tpu.memory_space<vmem>>, vector<16xi32>,
    tpu.vector_store %arg8[%swap3A], %select_n3A {strides = array<i32>} : memref<5008xi32, #tpu.memory_space<vmem>>, vector<16xi32>,
    %get3A_9 = arith.constant 4992 : index
    %get3A_10 = tpu.vector_load %arg9[%get3A_9] {strides = array<i32>} : memref<5008xi32, #tpu.memory_space<vmem>>, vector<16xi32>,
    %jit3A_11 = arith.constant 0 : i32
    %broadcast_in_dim3A_12 = vector.broadcast %jit3A_11 : i32 to vector<16xi32>
    %select_n3A_13 = arith.select %lt3A_5, %get3A_10, %broadcast_in_dim3A_12 : vector<16xi1>, vector<16xi32>
    %swap3A_14 = arith.constant 4992 : index
    %swap3A_15 = tpu.vector_load %arg9[%swap3A_14] {strides = array<i32>} : memref<5008xi32, #tpu.memory_space<vmem>>, vector<16xi32>,
    tpu.vector_store %arg9[%swap3A_14], %select_n3A_13 {strides = array<i32>} : memref<5008xi32, #tpu.memory_space<vmem>>, vector<16xi32>,
    %get3A_16 = arith.constant 4992 : index
    %get3A_17 = tpu.vector_load %arg10[%get3A_16] {strides = array<i32>} : memref<5008xf32, #tpu.memory_space<vmem>>, vector<16xf32>,
    %jit3A_18 = arith.constant 0.000000e+00 : f32
    %broadcast_in_dim3A_19 = vector.broadcast %jit3A_18 : f32 to vector<16xf32>
    %select_n3A_20 = arith.select %lt3A_5, %get3A_17, %broadcast_in_dim3A_19 : vector<16xi1>, vector<16xf32>
    %swap3A_21 = arith.constant 4992 : index
    %swap3A_22 = tpu.vector_load %arg10[%swap3A_21] {strides = array<i32>} : memref<5008xf32, #tpu.memory_space<vmem>>, vector<16xf32>,
    tpu.vector_store %arg10[%swap3A_21], %select_n3A_20 {strides = array<i32>} : memref<5008xf32, #tpu.memory_space<vmem>>, vector<16xf32>,
    %parallel_loop3A = arith.constant 0 : i32
    %parallel_loop3A_23 = arith.constant 65536 : i32
    %parallel_loop3A_24 = arith.constant 16 : i32
    scf.for %parallel_loop3A_34 = %parallel_loop3A to %parallel_loop3A_23 step %parallel_loop3A_24  : i32 {
      %parallel_loop3A_35 = arith.index_cast %parallel_loop3A_34 : i32 to index
      %parallel_loop3A_36 = tpu.vector_load %arg11[%parallel_loop3A_35] {strides = array<i32>} : memref<65536xf32, #tpu.memory_space<vmem>>, vector<16xf32>,
      tpu.vector_store %arg11[%parallel_loop3A_35], %broadcast_in_dim3A_3 {strides = array<i32>} : memref<65536xf32, #tpu.memory_space<vmem>>, vector<16xf32>,
    } {sc.loop_unroll_factor = 16 : i64, sc.parallel_access}
    %mul3A_25 = arith.constant 4096 : i32
    %mul3A_26 = vector.broadcast %mul3A_25 : i32 to vector<16xi32>
    %mul3A_27 = arith.muli %iota3A, %mul3A_26 : vector<16xi32>
    %parallel_loop3A_28 = arith.constant 0 : i32
    %parallel_loop3A_29 = arith.constant 5008 : i32
    %parallel_loop3A_30 = arith.constant 16 : i32
    scf.for %parallel_loop3A_34 = %parallel_loop3A_28 to %parallel_loop3A_29 step %parallel_loop3A_30  : i32 {
      %parallel_loop3A_35 = arith.index_cast %parallel_loop3A_34 : i32 to index
      %parallel_loop3A_36 = tpu.vector_load %arg8[%parallel_loop3A_35] {strides = array<i32>} : memref<5008xi32, #tpu.memory_space<vmem>>, vector<16xi32>,
      %parallel_loop3A_37 = arith.index_cast %parallel_loop3A_34 : i32 to index
      %parallel_loop3A_38 = tpu.vector_load %arg9[%parallel_loop3A_37] {strides = array<i32>} : memref<5008xi32, #tpu.memory_space<vmem>>, vector<16xi32>,
      %parallel_loop3A_39 = arith.index_cast %parallel_loop3A_34 : i32 to index
      %parallel_loop3A_40 = tpu.vector_load %arg10[%parallel_loop3A_39] {strides = array<i32>} : memref<5008xf32, #tpu.memory_space<vmem>>, vector<16xf32>,
      %parallel_loop3A_41 = tpu.vector_load_idx %arg7[%parallel_loop3A_36] : memref<10000xi32, #tpu.memory_space<vmem>>[vector<16xi32>], vector<16xi32>,
      %parallel_loop3A_42 = tpu.vector_load_idx %arg7[%parallel_loop3A_38] : memref<10000xi32, #tpu.memory_space<vmem>>[vector<16xi32>], vector<16xi32>,
      %parallel_loop3A_43 = arith.constant 64 : i32
      %parallel_loop3A_44 = vector.broadcast %parallel_loop3A_43 : i32 to vector<16xi32>
      %parallel_loop3A_45 = arith.muli %parallel_loop3A_41, %parallel_loop3A_44 : vector<16xi32>
      %parallel_loop3A_46 = arith.addi %mul3A_27, %parallel_loop3A_45 : vector<16xi32>
      %parallel_loop3A_47 = arith.addi %parallel_loop3A_46, %parallel_loop3A_42 : vector<16xi32>
      tpu.vector_store_idx %arg11[%parallel_loop3A_47], %parallel_loop3A_40 {add = true} : memref<65536xf32, #tpu.memory_space<vmem>>[vector<16xi32>], vector<16xf32>,
    } {sc.loop_unroll_factor = 8 : i64, sc.parallel_access}
    %parallel_loop3A_31 = arith.constant 0 : i32
    %parallel_loop3A_32 = arith.constant 4096 : i32
    %parallel_loop3A_33 = arith.constant 16 : i32
    scf.for %parallel_loop3A_34 = %parallel_loop3A_31 to %parallel_loop3A_32 step %parallel_loop3A_33  : i32 {
      %parallel_loop3A_35 = arith.index_cast %parallel_loop3A_34 : i32 to index
      %parallel_loop3A_36 = tpu.vector_load %arg11[%parallel_loop3A_35] {strides = array<i32>} : memref<65536xf32, #tpu.memory_space<vmem>>, vector<16xf32>,
      %parallel_loop3A_37 = arith.constant 4096 : i32
      %parallel_loop3A_38 = arith.addi %parallel_loop3A_37, %parallel_loop3A_34 : i32
      %parallel_loop3A_39 = arith.index_cast %parallel_loop3A_38 : i32 to index
      %parallel_loop3A_40 = tpu.vector_load %arg11[%parallel_loop3A_39] {strides = array<i32>} : memref<65536xf32, #tpu.memory_space<vmem>>, vector<16xf32>,
      %parallel_loop3A_41 = arith.addf %parallel_loop3A_36, %parallel_loop3A_40 : vector<16xf32>
      %parallel_loop3A_42 = arith.constant 8192 : i32
      %parallel_loop3A_43 = arith.addi %parallel_loop3A_42, %parallel_loop3A_34 : i32
      %parallel_loop3A_44 = arith.index_cast %parallel_loop3A_43 : i32 to index
      %parallel_loop3A_45 = tpu.vector_load %arg11[%parallel_loop3A_44] {strides = array<i32>} : memref<65536xf32, #tpu.memory_space<vmem>>, vector<16xf32>,
      %parallel_loop3A_46 = arith.addf %parallel_loop3A_41, %parallel_loop3A_45 : vector<16xf32>
      %parallel_loop3A_47 = arith.constant 12288 : i32
      %parallel_loop3A_48 = arith.addi %parallel_loop3A_47, %parallel_loop3A_34 : i32
      %parallel_loop3A_49 = arith.index_cast %parallel_loop3A_48 : i32 to index
      %parallel_loop3A_50 = tpu.vector_load %arg11[%parallel_loop3A_49] {strides = array<i32>} : memref<65536xf32, #tpu.memory_space<vmem>>, vector<16xf32>,
      %parallel_loop3A_51 = arith.addf %parallel_loop3A_46, %parallel_loop3A_50 : vector<16xf32>
      %parallel_loop3A_52 = arith.constant 16384 : i32
      %parallel_loop3A_53 = arith.addi %parallel_loop3A_52, %parallel_loop3A_34 : i32
      %parallel_loop3A_54 = arith.index_cast %parallel_loop3A_53 : i32 to index
      %parallel_loop3A_55 = tpu.vector_load %arg11[%parallel_loop3A_54] {strides = array<i32>} : memref<65536xf32, #tpu.memory_space<vmem>>, vector<16xf32>,
      %parallel_loop3A_56 = arith.addf %parallel_loop3A_51, %parallel_loop3A_55 : vector<16xf32>
      %parallel_loop3A_57 = arith.constant 20480 : i32
      %parallel_loop3A_58 = arith.addi %parallel_loop3A_57, %parallel_loop3A_34 : i32
      %parallel_loop3A_59 = arith.index_cast %parallel_loop3A_58 : i32 to index
      %parallel_loop3A_60 = tpu.vector_load %arg11[%parallel_loop3A_59] {strides = array<i32>} : memref<65536xf32, #tpu.memory_space<vmem>>, vector<16xf32>,
      %parallel_loop3A_61 = arith.addf %parallel_loop3A_56, %parallel_loop3A_60 : vector<16xf32>
      %parallel_loop3A_62 = arith.constant 24576 : i32
      %parallel_loop3A_63 = arith.addi %parallel_loop3A_62, %parallel_loop3A_34 : i32
      %parallel_loop3A_64 = arith.index_cast %parallel_loop3A_63 : i32 to index
      %parallel_loop3A_65 = tpu.vector_load %arg11[%parallel_loop3A_64] {strides = array<i32>} : memref<65536xf32, #tpu.memory_space<vmem>>, vector<16xf32>,
      %parallel_loop3A_66 = arith.addf %parallel_loop3A_61, %parallel_loop3A_65 : vector<16xf32>
      %parallel_loop3A_67 = arith.constant 28672 : i32
      %parallel_loop3A_68 = arith.addi %parallel_loop3A_67, %parallel_loop3A_34 : i32
      %parallel_loop3A_69 = arith.index_cast %parallel_loop3A_68 : i32 to index
      %parallel_loop3A_70 = tpu.vector_load %arg11[%parallel_loop3A_69] {strides = array<i32>} : memref<65536xf32, #tpu.memory_space<vmem>>, vector<16xf32>,
      %parallel_loop3A_71 = arith.addf %parallel_loop3A_66, %parallel_loop3A_70 : vector<16xf32>
      %parallel_loop3A_72 = arith.constant 32768 : i32
      %parallel_loop3A_73 = arith.addi %parallel_loop3A_72, %parallel_loop3A_34 : i32
      %parallel_loop3A_74 = arith.index_cast %parallel_loop3A_73 : i32 to index
      %parallel_loop3A_75 = tpu.vector_load %arg11[%parallel_loop3A_74] {strides = array<i32>} : memref<65536xf32, #tpu.memory_space<vmem>>, vector<16xf32>,
      %parallel_loop3A_76 = arith.addf %parallel_loop3A_71, %parallel_loop3A_75 : vector<16xf32>
      %parallel_loop3A_77 = arith.constant 36864 : i32
      %parallel_loop3A_78 = arith.addi %parallel_loop3A_77, %parallel_loop3A_34 : i32
      %parallel_loop3A_79 = arith.index_cast %parallel_loop3A_78 : i32 to index
      %parallel_loop3A_80 = tpu.vector_load %arg11[%parallel_loop3A_79] {strides = array<i32>} : memref<65536xf32, #tpu.memory_space<vmem>>, vector<16xf32>,
      %parallel_loop3A_81 = arith.addf %parallel_loop3A_76, %parallel_loop3A_80 : vector<16xf32>
      %parallel_loop3A_82 = arith.constant 40960 : i32
      %parallel_loop3A_83 = arith.addi %parallel_loop3A_82, %parallel_loop3A_34 : i32
      %parallel_loop3A_84 = arith.index_cast %parallel_loop3A_83 : i32 to index
      %parallel_loop3A_85 = tpu.vector_load %arg11[%parallel_loop3A_84] {strides = array<i32>} : memref<65536xf32, #tpu.memory_space<vmem>>, vector<16xf32>,
      %parallel_loop3A_86 = arith.addf %parallel_loop3A_81, %parallel_loop3A_85 : vector<16xf32>
      %parallel_loop3A_87 = arith.constant 45056 : i32
      %parallel_loop3A_88 = arith.addi %parallel_loop3A_87, %parallel_loop3A_34 : i32
      %parallel_loop3A_89 = arith.index_cast %parallel_loop3A_88 : i32 to index
      %parallel_loop3A_90 = tpu.vector_load %arg11[%parallel_loop3A_89] {strides = array<i32>} : memref<65536xf32, #tpu.memory_space<vmem>>, vector<16xf32>,
      %parallel_loop3A_91 = arith.addf %parallel_loop3A_86, %parallel_loop3A_90 : vector<16xf32>
      %parallel_loop3A_92 = arith.constant 49152 : i32
      %parallel_loop3A_93 = arith.addi %parallel_loop3A_92, %parallel_loop3A_34 : i32
      %parallel_loop3A_94 = arith.index_cast %parallel_loop3A_93 : i32 to index
      %parallel_loop3A_95 = tpu.vector_load %arg11[%parallel_loop3A_94] {strides = array<i32>} : memref<65536xf32, #tpu.memory_space<vmem>>, vector<16xf32>,
      %parallel_loop3A_96 = arith.addf %parallel_loop3A_91, %parallel_loop3A_95 : vector<16xf32>
      %parallel_loop3A_97 = arith.constant 53248 : i32
      %parallel_loop3A_98 = arith.addi %parallel_loop3A_97, %parallel_loop3A_34 : i32
      %parallel_loop3A_99 = arith.index_cast %parallel_loop3A_98 : i32 to index
      %parallel_loop3A_100 = tpu.vector_load %arg11[%parallel_loop3A_99] {strides = array<i32>} : memref<65536xf32, #tpu.memory_space<vmem>>, vector<16xf32>,
      %parallel_loop3A_101 = arith.addf %parallel_loop3A_96, %parallel_loop3A_100 : vector<16xf32>
      %parallel_loop3A_102 = arith.constant 57344 : i32
      %parallel_loop3A_103 = arith.addi %parallel_loop3A_102, %parallel_loop3A_34 : i32
      %parallel_loop3A_104 = arith.index_cast %parallel_loop3A_103 : i32 to index
      %parallel_loop3A_105 = tpu.vector_load %arg11[%parallel_loop3A_104] {strides = array<i32>} : memref<65536xf32, #tpu.memory_space<vmem>>, vector<16xf32>,
      %parallel_loop3A_106 = arith.addf %parallel_loop3A_101, %parallel_loop3A_105 : vector<16xf32>
      %parallel_loop3A_107 = arith.constant 61440 : i32
      %parallel_loop3A_108 = arith.addi %parallel_loop3A_107, %parallel_loop3A_34 : i32
      %parallel_loop3A_109 = arith.index_cast %parallel_loop3A_108 : i32 to index
      %parallel_loop3A_110 = tpu.vector_load %arg11[%parallel_loop3A_109] {strides = array<i32>} : memref<65536xf32, #tpu.memory_space<vmem>>, vector<16xf32>,
      %parallel_loop3A_111 = arith.addf %parallel_loop3A_106, %parallel_loop3A_110 : vector<16xf32>
      %parallel_loop3A_112 = arith.index_cast %parallel_loop3A_34 : i32 to index
      %parallel_loop3A_113 = tpu.vector_load %arg12[%parallel_loop3A_112] {strides = array<i32>} : memref<4096xf32, #tpu.memory_space<vmem>>, vector<16xf32>,
      tpu.vector_store %arg12[%parallel_loop3A_112], %parallel_loop3A_111 {strides = array<i32>} : memref<4096xf32, #tpu.memory_space<vmem>>, vector<16xf32>,
    } {sc.loop_unroll_factor = 4 : i64, sc.parallel_access}
    "tpu.region"() ({
      %run_scoped3A = tpu.sem_alloc : memref<!tpu.dma_semaphore, #tpu.memory_space<semaphore_mem>>
      %dma_start3A = arith.constant 0 : i32
      %dma_start3A_34 = tpu.memref_slice %arg6[%add3A, %dma_start3A] : memref<32x4096xf32, #tpu.memory_space<hbm>> -> memref<1x4096xf32, #tpu.memory_space<hbm>>
      %dma_start3A_35 = tpu.memref_squeeze %dma_start3A_34 : memref<1x4096xf32, #tpu.memory_space<hbm>> -> memref<4096xf32, #tpu.memory_space<hbm>>
      %dma_start3A_36 = arith.constant 0 : i32
      %dma_start3A_37 = tpu.memref_slice %arg6[%add3A, %dma_start3A_36] : memref<32x4096xf32, #tpu.memory_space<hbm>> -> memref<1x4096xf32, #tpu.memory_space<hbm>>
      %dma_start3A_38 = tpu.memref_squeeze %dma_start3A_37 : memref<1x4096xf32, #tpu.memory_space<hbm>> -> memref<4096xf32, #tpu.memory_space<hbm>>
      tpu.enqueue_dma source(%arg12 : memref<4096xf32, #tpu.memory_space<vmem>>) target(%dma_start3A_38 : memref<4096xf32, #tpu.memory_space<hbm>>) target_semaphore(%run_scoped3A : memref<!tpu.dma_semaphore, #tpu.memory_space<semaphore_mem>>)
      %dma_wait3A = arith.constant 0 : i32
      %dma_wait3A_39 = tpu.memref_slice %arg6[%add3A, %dma_wait3A] : memref<32x4096xf32, #tpu.memory_space<hbm>> -> memref<1x4096xf32, #tpu.memory_space<hbm>>
      %dma_wait3A_40 = tpu.memref_squeeze %dma_wait3A_39 : memref<1x4096xf32, #tpu.memory_space<hbm>> -> memref<4096xf32, #tpu.memory_space<hbm>>
      %dma_wait3A_41 = arith.constant 0 : i32
      %dma_wait3A_42 = tpu.memref_slice %arg6[%add3A, %dma_wait3A_41] : memref<32x4096xf32, #tpu.memory_space<hbm>> -> memref<1x4096xf32, #tpu.memory_space<hbm>>
      %dma_wait3A_43 = tpu.memref_squeeze %dma_wait3A_42 : memref<1x4096xf32, #tpu.memory_space<hbm>> -> memref<4096xf32, #tpu.memory_space<hbm>>
      tpu.wait_dma2 semaphore(%run_scoped3A : memref<!tpu.dma_semaphore, #tpu.memory_space<semaphore_mem>>) src(%arg12 : memref<4096xf32, #tpu.memory_space<vmem>>) dst(%dma_wait3A_43 : memref<4096xf32, #tpu.memory_space<hbm>>)
      tpu.yield
    }) : () -> ()
    return
  }
}

module attributes {stable_mosaic.version = 14 : i64} {
  func.func @body(%arg0: i32, %arg1: memref<2000x256xf32, #tpu.memory_space<vmem>>, %arg2: memref<256x64xf32, #tpu.memory_space<vmem>>, %arg3: memref<1x64xf32, #tpu.memory_space<vmem>>, %arg4: memref<2000x64xf32, #tpu.memory_space<vmem>>, %arg5: memref<512x256xf32, #tpu.memory_space<vmem>>, %arg6: memref<1x512xf32, #tpu.memory_space<vmem>>, %arg7: memref<1x1xf32, #tpu.memory_space<vmem>>, %arg8: memref<1x1x2000xi32, #tpu.memory_space<vmem>>) attributes {dimension_semantics = [#tpu.dimension_semantics<arbitrary>], iteration_bounds = array<i64: 5>, scalar_prefetch = 0 : i64, scratch_operands = 0 : i64, tpu.core_type = #tpu.core_type<tc>, window_params = [{transform_indices = @transform_0, window_bounds = array<i64: 2000, 256>}, {pipeline_mode = #tpu.pipeline_mode<synchronous>, transform_indices = @transform_1, window_bounds = array<i64: 256, 64>}, {pipeline_mode = #tpu.pipeline_mode<synchronous>, transform_indices = @transform_2, window_bounds = array<i64: 1, 64>}, {transform_indices = @transform_3, window_bounds = array<i64: 2000, 64>}, {pipeline_mode = #tpu.pipeline_mode<synchronous>, transform_indices = @transform_4, window_bounds = array<i64: 512, 256>}, {pipeline_mode = #tpu.pipeline_mode<synchronous>, transform_indices = @transform_5, window_bounds = array<i64: 1, 512>}, {pipeline_mode = #tpu.pipeline_mode<synchronous>, transform_indices = @transform_6, window_bounds = array<i64: 1, 1>}, {transform_indices = @transform_7, window_bounds = array<i64: 1, 1, 2000>}]} {
    %get3A = arith.constant 0 : index
    %get3A_0 = arith.constant 0 : index
    %get3A_1 = vector.load %arg1[%get3A, %get3A_0] : memref<2000x256xf32, #tpu.memory_space<vmem>>, vector<2000x256xf32>
    %convert_element_type3A = arith.truncf %get3A_1 : vector<2000x256xf32> to vector<2000x256xbf16>
    %get3A_2 = arith.constant 0 : index
    %get3A_3 = arith.constant 0 : index
    %get3A_4 = vector.load %arg2[%get3A_2, %get3A_3] : memref<256x64xf32, #tpu.memory_space<vmem>>, vector<256x64xf32>
    %convert_element_type3A_5 = arith.truncf %get3A_4 : vector<256x64xf32> to vector<256x64xbf16>
    %dot_general3A = arith.constant dense<0.000000e+00> : vector<2000x64xf32>
    %dot_general3A_6 = tpu.matmul %convert_element_type3A, %convert_element_type3A_5, %dot_general3A {dimension_numbers = #tpu.dot_dimension_numbers<[1], [0], [0], [1], [0, 0, 1, 1], [], []>, transpose_lhs_hint = false} : vector<2000x256xbf16>, vector<256x64xbf16>, vector<2000x64xf32> -> vector<2000x64xf32>
    %get3A_7 = arith.constant 0 : index
    %get3A_8 = arith.constant 0 : index
    %get3A_9 = vector.load %arg3[%get3A_7, %get3A_8] : memref<1x64xf32, #tpu.memory_space<vmem>>, vector<1x64xf32>
    %add3A = vector.broadcast %get3A_9 : vector<1x64xf32> to vector<2000x64xf32>
    %add3A_10 = arith.addf %dot_general3A_6, %add3A : vector<2000x64xf32>
    %get3A_11 = arith.constant 0 : index
    %get3A_12 = arith.constant 0 : index
    %get3A_13 = vector.load %arg4[%get3A_11, %get3A_12] : memref<2000x64xf32, #tpu.memory_space<vmem>>, vector<2000x64xf32>
    %add3A_14 = arith.addf %add3A_10, %get3A_13 : vector<2000x64xf32>
    %reduce_max3A = arith.constant dense<0xFF800000> : vector<2000xf32>
    %reduce_max3A_15 = vector.multi_reduction <maximumf>, %add3A_14, %reduce_max3A [1] : vector<2000x64xf32> to vector<2000xf32>
    %broadcast_in_dim3A = vector.shape_cast %reduce_max3A_15 : vector<2000xf32> to vector<2000x1xf32>
    %sub3A = vector.broadcast %broadcast_in_dim3A : vector<2000x1xf32> to vector<2000x64xf32>
    %sub3A_16 = arith.subf %add3A_14, %sub3A : vector<2000x64xf32>
    %exp3A = math.exp %sub3A_16 : vector<2000x64xf32>
    %reduce_sum3A = arith.constant dense<0.000000e+00> : vector<2000xf32>
    %reduce_sum3A_17 = vector.multi_reduction <add>, %exp3A, %reduce_sum3A [1] : vector<2000x64xf32> to vector<2000xf32>
    %broadcast_in_dim3A_18 = vector.shape_cast %reduce_sum3A_17 : vector<2000xf32> to vector<2000x1xf32>
    %div3A = vector.broadcast %broadcast_in_dim3A_18 : vector<2000x1xf32> to vector<2000x64xf32>
    %div3A_19 = arith.divf %exp3A, %div3A : vector<2000x64xf32>
    %reduce_max3A_20 = arith.constant dense<0xFF800000> : vector<2000xf32>
    %reduce_max3A_21 = vector.multi_reduction <maximumf>, %div3A_19, %reduce_max3A_20 [1] : vector<2000x64xf32> to vector<2000xf32>
    %broadcast_in_dim3A_22 = vector.shape_cast %reduce_max3A_21 : vector<2000xf32> to vector<2000x1xf32>
    %iota3A = tpu.iota {dimensions = array<i32: 1>} : vector<2000x64xi32>
    %eq3A = vector.broadcast %broadcast_in_dim3A_22 : vector<2000x1xf32> to vector<2000x64xf32>
    %eq3A_23 = arith.cmpf oeq, %div3A_19, %eq3A : vector<2000x64xf32>
    %jit3A = arith.constant 64 : i32
    %broadcast_in_dim3A_24 = vector.broadcast %jit3A : i32 to vector<2000x64xi32>
    %select_n3A = arith.select %eq3A_23, %iota3A, %broadcast_in_dim3A_24 : vector<2000x64xi1>, vector<2000x64xi32>
    %reduce_min3A = arith.constant dense<2147483647> : vector<2000xi32>
    %reduce_min3A_25 = vector.multi_reduction <minsi>, %select_n3A, %reduce_min3A [1] : vector<2000x64xi32> to vector<2000xi32>
    %broadcast_in_dim3A_26 = vector.shape_cast %reduce_min3A_25 : vector<2000xi32> to vector<2000x1xi32>
    %add3A_27 = arith.constant 1.000000e+00 : f32
    %add3A_28 = vector.broadcast %add3A_27 : f32 to vector<2000x1xf32>
    %add3A_29 = arith.addf %add3A_28, %broadcast_in_dim3A_22 : vector<2000x1xf32>
    %sub3A_30 = arith.subf %add3A_29, %broadcast_in_dim3A_22 : vector<2000x1xf32>
    %neg3A = arith.constant 0.000000e+00 : f32
    %neg3A_31 = vector.broadcast %neg3A : f32 to vector<2000x1xf32>
    %neg3A_32 = arith.subf %neg3A_31, %sub3A_30 : vector<2000x1xf32>
    %add3A_33 = arith.constant 1.000000e-15 : f32
    %add3A_34 = vector.broadcast %add3A_33 : f32 to vector<2000x1xf32>
    %add3A_35 = arith.addf %sub3A_30, %add3A_34 : vector<2000x1xf32>
    %log3A = math.log %add3A_35 : vector<2000x1xf32>
    %mul3A = arith.mulf %neg3A_32, %log3A : vector<2000x1xf32>
    %reduce_sum3A_36 = vector.shape_cast %mul3A : vector<2000x1xf32> to vector<1x2000x1xf32>
    %reduce_sum3A_37 = arith.constant dense<0.000000e+00> : vector<1xf32>
    %reduce_sum3A_38 = vector.multi_reduction <add>, %reduce_sum3A_36, %reduce_sum3A_37 [1, 2] : vector<1x2000x1xf32> to vector<1xf32>
    %reduce_sum3A_39 = vector.shape_cast %reduce_sum3A_38 : vector<1xf32> to vector<1x1x1xf32>
    %reduce_sum3A_40 = vector.extract %reduce_sum3A_39[0, 0, 0] : f32 from vector<1x1x1xf32>
    %broadcast_in_dim3A_41 = vector.broadcast %reduce_sum3A_40 : f32 to vector<1x1xf32>
    %mul3A_42 = arith.constant 2000 : i32
    %mul3A_43 = arith.muli %arg0, %mul3A_42 : i32
    %iota3A_44 = tpu.iota {dimensions = array<i32: 0>} : vector<2000x1xi32>
    %add3A_45 = vector.broadcast %mul3A_43 : i32 to vector<2000x1xi32>
    %add3A_46 = arith.addi %add3A_45, %iota3A_44 : vector<2000x1xi32>
    %jit3A_47 = arith.constant 1250 : i32
    %div3A_48 = vector.broadcast %jit3A_47 : i32 to vector<2000x1xi32>
    %div3A_49 = arith.divsi %add3A_46, %div3A_48 : vector<2000x1xi32>
    %sign3A = arith.constant 0 : i32
    %sign3A_50 = vector.broadcast %sign3A : i32 to vector<2000x1xi32>
    %sign3A_51 = arith.cmpi sgt, %add3A_46, %sign3A_50 : vector<2000x1xi32>
    %sign3A_52 = arith.extui %sign3A_51 : vector<2000x1xi1> to vector<2000x1xi32>
    %sign3A_53 = arith.constant 0 : i32
    %sign3A_54 = vector.broadcast %sign3A_53 : i32 to vector<2000x1xi32>
    %sign3A_55 = arith.cmpi slt, %add3A_46, %sign3A_54 : vector<2000x1xi32>
    %sign3A_56 = arith.extui %sign3A_55 : vector<2000x1xi1> to vector<2000x1xi32>
    %sign3A_57 = arith.subi %sign3A_52, %sign3A_56 : vector<2000x1xi32>
    %sign3A_58 = arith.constant 0 : i32
    %sign3A_59 = arith.cmpi sgt, %jit3A_47, %sign3A_58 : i32
    %sign3A_60 = arith.extui %sign3A_59 : i1 to i32
    %sign3A_61 = arith.constant 0 : i32
    %sign3A_62 = arith.cmpi slt, %jit3A_47, %sign3A_61 : i32
    %sign3A_63 = arith.extui %sign3A_62 : i1 to i32
    %sign3A_64 = arith.subi %sign3A_60, %sign3A_63 : i32
    %ne3A = vector.broadcast %sign3A_64 : i32 to vector<2000x1xi32>
    %ne3A_65 = arith.cmpi ne, %sign3A_57, %ne3A : vector<2000x1xi32>
    %rem3A = vector.broadcast %jit3A_47 : i32 to vector<2000x1xi32>
    %rem3A_66 = arith.remsi %add3A_46, %rem3A : vector<2000x1xi32>
    %ne3A_67 = arith.constant 0 : i32
    %ne3A_68 = vector.broadcast %ne3A_67 : i32 to vector<2000x1xi32>
    %ne3A_69 = arith.cmpi ne, %rem3A_66, %ne3A_68 : vector<2000x1xi32>
    %and3A = arith.andi %ne3A_65, %ne3A_69 : vector<2000x1xi1>
    %sub3A_70 = arith.constant 1 : i32
    %sub3A_71 = vector.broadcast %sub3A_70 : i32 to vector<2000x1xi32>
    %sub3A_72 = arith.subi %div3A_49, %sub3A_71 : vector<2000x1xi32>
    %select_n3A_73 = arith.select %and3A, %sub3A_72, %div3A_49 : vector<2000x1xi1>, vector<2000x1xi32>
    %mul3A_74 = arith.constant 64 : i32
    %mul3A_75 = vector.broadcast %mul3A_74 : i32 to vector<2000x1xi32>
    %mul3A_76 = arith.muli %select_n3A_73, %mul3A_75 : vector<2000x1xi32>
    %add3A_77 = arith.addi %mul3A_76, %broadcast_in_dim3A_26 : vector<2000x1xi32>
    %iota3A_78 = tpu.iota {dimensions = array<i32: 1>} : vector<2000x512xi32>
    %eq3A_79 = vector.broadcast %add3A_77 : vector<2000x1xi32> to vector<2000x512xi32>
    %eq3A_80 = arith.cmpi eq, %iota3A_78, %eq3A_79 : vector<2000x512xi32>
    %convert_element_type3A_81 = arith.extui %eq3A_80 : vector<2000x512xi1> to vector<2000x512xi32>
    %convert_element_type3A_82 = arith.sitofp %convert_element_type3A_81 : vector<2000x512xi32> to vector<2000x512xf32>
    %convert_element_type3A_83 = arith.truncf %convert_element_type3A_82 : vector<2000x512xf32> to vector<2000x512xbf16>
    %convert_element_type3A_84 = arith.truncf %get3A_1 : vector<2000x256xf32> to vector<2000x256xbf16>
    %dot_general3A_85 = arith.constant dense<0.000000e+00> : vector<512x256xf32>
    %dot_general3A_86 = tpu.matmul %convert_element_type3A_83, %convert_element_type3A_84, %dot_general3A_85 {dimension_numbers = #tpu.dot_dimension_numbers<[0], [0], [1], [1], [0, 1, 1, 1], [], []>, transpose_lhs_hint = false} : vector<2000x512xbf16>, vector<2000x256xbf16>, vector<512x256xf32> -> vector<512x256xf32>
    %reduce_sum3A_87 = arith.constant dense<0.000000e+00> : vector<512xf32>
    %reduce_sum3A_88 = vector.multi_reduction <add>, %convert_element_type3A_82, %reduce_sum3A_87 [0] : vector<2000x512xf32> to vector<512xf32>
    %broadcast_in_dim3A_89 = vector.shape_cast %reduce_sum3A_88 : vector<512xf32> to vector<1x512xf32>
    %eq3A_90 = arith.constant 0 : i32
    %eq3A_91 = arith.cmpi eq, %arg0, %eq3A_90 : i32
    %convert_element_type3A_92 = arith.extui %eq3A_91 : i1 to i32
    %cond3A = arith.constant 0 : i32
    %cond3A_93 = arith.cmpi ne, %convert_element_type3A_92, %cond3A : i32
    scf.if %cond3A_93 {
      %broadcast_in_dim3A_118 = arith.constant 0.000000e+00 : f32
      %broadcast_in_dim3A_119 = vector.broadcast %broadcast_in_dim3A_118 : f32 to vector<512x256xf32>
      %swap3A_120 = arith.constant 0 : index
      %swap3A_121 = arith.constant 0 : index
      %swap3A_122 = vector.load %arg5[%swap3A_120, %swap3A_121] : memref<512x256xf32, #tpu.memory_space<vmem>>, vector<512x256xf32>
      tpu.vector_store %arg5[%swap3A_120, %swap3A_121], %broadcast_in_dim3A_119 {strides = array<i32>} : memref<512x256xf32, #tpu.memory_space<vmem>>, vector<512x256xf32>,
      %broadcast_in_dim3A_123 = arith.constant 0.000000e+00 : f32
      %broadcast_in_dim3A_124 = vector.broadcast %broadcast_in_dim3A_123 : f32 to vector<1x512xf32>
      %swap3A_125 = arith.constant 0 : index
      %swap3A_126 = arith.constant 0 : index
      %swap3A_127 = vector.load %arg6[%swap3A_125, %swap3A_126] : memref<1x512xf32, #tpu.memory_space<vmem>>, vector<1x512xf32>
      tpu.vector_store %arg6[%swap3A_125, %swap3A_126], %broadcast_in_dim3A_124 {strides = array<i32>} : memref<1x512xf32, #tpu.memory_space<vmem>>, vector<1x512xf32>,
      %broadcast_in_dim3A_128 = arith.constant 0.000000e+00 : f32
      %broadcast_in_dim3A_129 = vector.broadcast %broadcast_in_dim3A_128 : f32 to vector<1x1xf32>
      %swap3A_130 = arith.constant 0 : index
      %swap3A_131 = arith.constant 0 : index
      %swap3A_132 = vector.load %arg7[%swap3A_130, %swap3A_131] : memref<1x1xf32, #tpu.memory_space<vmem>>, vector<1x1xf32>
      tpu.vector_store %arg7[%swap3A_130, %swap3A_131], %broadcast_in_dim3A_129 {strides = array<i32>} : memref<1x1xf32, #tpu.memory_space<vmem>>, vector<1x1xf32>,
    } else {
    }
    %get3A_94 = arith.constant 0 : index
    %get3A_95 = arith.constant 0 : index
    %get3A_96 = vector.load %arg5[%get3A_94, %get3A_95] : memref<512x256xf32, #tpu.memory_space<vmem>>, vector<512x256xf32>
    %add3A_97 = arith.addf %get3A_96, %dot_general3A_86 : vector<512x256xf32>
    %swap3A = arith.constant 0 : index
    %swap3A_98 = arith.constant 0 : index
    %swap3A_99 = vector.load %arg5[%swap3A, %swap3A_98] : memref<512x256xf32, #tpu.memory_space<vmem>>, vector<512x256xf32>
    tpu.vector_store %arg5[%swap3A, %swap3A_98], %add3A_97 {strides = array<i32>} : memref<512x256xf32, #tpu.memory_space<vmem>>, vector<512x256xf32>,
    %get3A_100 = arith.constant 0 : index
    %get3A_101 = arith.constant 0 : index
    %get3A_102 = vector.load %arg6[%get3A_100, %get3A_101] : memref<1x512xf32, #tpu.memory_space<vmem>>, vector<1x512xf32>
    %add3A_103 = arith.addf %get3A_102, %broadcast_in_dim3A_89 : vector<1x512xf32>
    %swap3A_104 = arith.constant 0 : index
    %swap3A_105 = arith.constant 0 : index
    %swap3A_106 = vector.load %arg6[%swap3A_104, %swap3A_105] : memref<1x512xf32, #tpu.memory_space<vmem>>, vector<1x512xf32>
    tpu.vector_store %arg6[%swap3A_104, %swap3A_105], %add3A_103 {strides = array<i32>} : memref<1x512xf32, #tpu.memory_space<vmem>>, vector<1x512xf32>,
    %get3A_107 = arith.constant 0 : index
    %get3A_108 = arith.constant 0 : index
    %get3A_109 = vector.load %arg7[%get3A_107, %get3A_108] : memref<1x1xf32, #tpu.memory_space<vmem>>, vector<1x1xf32>
    %add3A_110 = arith.addf %get3A_109, %broadcast_in_dim3A_41 : vector<1x1xf32>
    %swap3A_111 = arith.constant 0 : index
    %swap3A_112 = arith.constant 0 : index
    %swap3A_113 = vector.load %arg7[%swap3A_111, %swap3A_112] : memref<1x1xf32, #tpu.memory_space<vmem>>, vector<1x1xf32>
    tpu.vector_store %arg7[%swap3A_111, %swap3A_112], %add3A_110 {strides = array<i32>} : memref<1x1xf32, #tpu.memory_space<vmem>>, vector<1x1xf32>,
    %transpose3A = tpu.transpose %broadcast_in_dim3A_26, [1, 0] : vector<2000x1xi32> -> vector<1x2000xi32>
    %reshape3A = vector.shape_cast %transpose3A : vector<1x2000xi32> to vector<1x1x2000xi32>
    %swap3A_114 = arith.constant 0 : index
    %swap3A_115 = arith.constant 0 : index
    %swap3A_116 = arith.constant 0 : index
    %swap3A_117 = vector.load %arg8[%swap3A_114, %swap3A_115, %swap3A_116] : memref<1x1x2000xi32, #tpu.memory_space<vmem>>, vector<1x1x2000xi32>
    tpu.vector_store %arg8[%swap3A_114, %swap3A_115, %swap3A_116], %reshape3A {strides = array<i32>} : memref<1x1x2000xi32, #tpu.memory_space<vmem>>, vector<1x1x2000xi32>,
    return
  }
  func.func @transform_0(%arg0: i32) -> (i32, i32) {
    %c0_i32 = arith.constant 0 : i32
    %c0_i32_0 = arith.constant 0 : i32
    return %arg0, %c0_i32 : i32, i32
  }
  func.func @transform_1(%arg0: i32) -> (i32, i32) {
    %c0_i32 = arith.constant 0 : i32
    %c0_i32_0 = arith.constant 0 : i32
    %c0_i32_1 = arith.constant 0 : i32
    return %c0_i32, %c0_i32_0 : i32, i32
  }
  func.func @transform_2(%arg0: i32) -> (i32, i32) {
    %c0_i32 = arith.constant 0 : i32
    %c0_i32_0 = arith.constant 0 : i32
    %c0_i32_1 = arith.constant 0 : i32
    return %c0_i32, %c0_i32_0 : i32, i32
  }
  func.func @transform_3(%arg0: i32) -> (i32, i32) {
    %c0_i32 = arith.constant 0 : i32
    %c0_i32_0 = arith.constant 0 : i32
    return %arg0, %c0_i32 : i32, i32
  }
  func.func @transform_4(%arg0: i32) -> (i32, i32) {
    %c0_i32 = arith.constant 0 : i32
    %c0_i32_0 = arith.constant 0 : i32
    %c0_i32_1 = arith.constant 0 : i32
    return %c0_i32, %c0_i32_0 : i32, i32
  }
  func.func @transform_5(%arg0: i32) -> (i32, i32) {
    %c0_i32 = arith.constant 0 : i32
    %c0_i32_0 = arith.constant 0 : i32
    %c0_i32_1 = arith.constant 0 : i32
    return %c0_i32, %c0_i32_0 : i32, i32
  }
  func.func @transform_6(%arg0: i32) -> (i32, i32) {
    %c0_i32 = arith.constant 0 : i32
    %c0_i32_0 = arith.constant 0 : i32
    %c0_i32_1 = arith.constant 0 : i32
    return %c0_i32, %c0_i32_0 : i32, i32
  }
  func.func @transform_7(%arg0: i32) -> (i32, i32, i32) {
    %c0_i32 = arith.constant 0 : i32
    %c0_i32_0 = arith.constant 0 : i32
    %c0_i32_1 = arith.constant 0 : i32
    return %arg0, %c0_i32, %c0_i32_0 : i32, i32, i32
  }
}

module attributes {stable_mosaic.version = 14 : i64} {
  func.func @body(%arg0: memref<32x4096xf32, #tpu.memory_space<vmem>>, %arg1: memref<1x512xf32, #tpu.memory_space<vmem>>, %arg2: memref<1x1xf32, #tpu.memory_space<vmem>>, %arg3: memref<8x20000xf32, #tpu.memory_space<vmem>>, %arg4: memref<8x4096xf32, #tpu.memory_space<vmem>>, %arg5: memref<1x1xf32, #tpu.memory_space<vmem>>, %arg6: memref<1x1xf32, #tpu.memory_space<vmem>>) attributes {dimension_semantics = [], scalar_prefetch = 0 : i64, scratch_operands = 0 : i64, tpu.core_type = #tpu.core_type<tc>} {
    %get3A = arith.constant 0 : index
    %get3A_0 = arith.constant 0 : index
    %get3A_1 = vector.load %arg0[%get3A, %get3A_0] : memref<32x4096xf32, #tpu.memory_space<vmem>>, vector<32x4096xf32>
    %reshape3A = vector.shape_cast %get3A_1 : vector<32x4096xf32> to vector<8x4x4096xf32>
    %slice3A = vector.extract_strided_slice %reshape3A {offsets = [0, 0, 0], sizes = [8, 1, 4096], strides = [1, 1, 1]} : vector<8x4x4096xf32> to vector<8x1x4096xf32>
    %squeeze3A = vector.shape_cast %slice3A : vector<8x1x4096xf32> to vector<8x4096xf32>
    %slice3A_2 = vector.extract_strided_slice %reshape3A {offsets = [0, 1, 0], sizes = [8, 1, 4096], strides = [1, 1, 1]} : vector<8x4x4096xf32> to vector<8x1x4096xf32>
    %squeeze3A_3 = vector.shape_cast %slice3A_2 : vector<8x1x4096xf32> to vector<8x4096xf32>
    %add3A = arith.addf %squeeze3A, %squeeze3A_3 : vector<8x4096xf32>
    %slice3A_4 = vector.extract_strided_slice %reshape3A {offsets = [0, 2, 0], sizes = [8, 1, 4096], strides = [1, 1, 1]} : vector<8x4x4096xf32> to vector<8x1x4096xf32>
    %squeeze3A_5 = vector.shape_cast %slice3A_4 : vector<8x1x4096xf32> to vector<8x4096xf32>
    %add3A_6 = arith.addf %add3A, %squeeze3A_5 : vector<8x4096xf32>
    %slice3A_7 = vector.extract_strided_slice %reshape3A {offsets = [0, 3, 0], sizes = [8, 1, 4096], strides = [1, 1, 1]} : vector<8x4x4096xf32> to vector<8x1x4096xf32>
    %squeeze3A_8 = vector.shape_cast %slice3A_7 : vector<8x1x4096xf32> to vector<8x4096xf32>
    %add3A_9 = arith.addf %add3A_6, %squeeze3A_8 : vector<8x4096xf32>
    %swap3A = arith.constant 0 : index
    %swap3A_10 = arith.constant 0 : index
    %swap3A_11 = vector.load %arg4[%swap3A, %swap3A_10] : memref<8x4096xf32, #tpu.memory_space<vmem>>, vector<8x4096xf32>
    tpu.vector_store %arg4[%swap3A, %swap3A_10], %add3A_9 {strides = array<i32>} : memref<8x4096xf32, #tpu.memory_space<vmem>>, vector<8x4096xf32>,
    %iota3A = tpu.iota {dimensions = array<i32: 1>} : vector<8x4096xi32>
    %jit3A = arith.constant 65 : i32
    %eq3A = arith.constant 0 : i32
    %eq3A_12 = arith.cmpi eq, %jit3A, %eq3A : i32
    %jit3A_13 = arith.constant 1 : i32
    %select_n3A = arith.select %eq3A_12, %jit3A_13, %jit3A : i32
    %rem3A = vector.broadcast %select_n3A : i32 to vector<8x4096xi32>
    %rem3A_14 = arith.remsi %iota3A, %rem3A : vector<8x4096xi32>
    %ne3A = arith.constant 0 : i32
    %ne3A_15 = vector.broadcast %ne3A : i32 to vector<8x4096xi32>
    %ne3A_16 = arith.cmpi ne, %rem3A_14, %ne3A_15 : vector<8x4096xi32>
    %lt3A = arith.constant 0 : i32
    %lt3A_17 = vector.broadcast %lt3A : i32 to vector<8x4096xi32>
    %lt3A_18 = arith.cmpi slt, %rem3A_14, %lt3A_17 : vector<8x4096xi32>
    %lt3A_19 = arith.constant 0 : i32
    %lt3A_20 = arith.cmpi slt, %select_n3A, %lt3A_19 : i32
    %ne3A_21 = vector.broadcast %lt3A_20 : i1 to vector<8x4096xi1>
    %ne3A_22 = vector.broadcast %ne3A_21 : vector<8x4096xi1> to vector<8x4096xi1>
    %ne3A_23 = arith.xori %lt3A_18, %ne3A_22 : vector<8x4096xi1>
    %and3A = arith.andi %ne3A_23, %ne3A_16 : vector<8x4096xi1>
    %add3A_24 = vector.broadcast %select_n3A : i32 to vector<8x4096xi32>
    %add3A_25 = arith.addi %rem3A_14, %add3A_24 : vector<8x4096xi32>
    %select_n3A_26 = arith.select %and3A, %add3A_25, %rem3A_14 : vector<8x4096xi1>, vector<8x4096xi32>
    %eq3A_27 = arith.constant 0 : i32
    %eq3A_28 = vector.broadcast %eq3A_27 : i32 to vector<8x4096xi32>
    %eq3A_29 = arith.cmpi eq, %select_n3A_26, %eq3A_28 : vector<8x4096xi32>
    %convert_element_type3A = arith.extui %eq3A_29 : vector<8x4096xi1> to vector<8x4096xi32>
    %convert_element_type3A_30 = arith.sitofp %convert_element_type3A : vector<8x4096xi32> to vector<8x4096xf32>
    %mul3A = arith.mulf %add3A_9, %convert_element_type3A_30 : vector<8x4096xf32>
    %reduce_sum3A = arith.constant dense<0.000000e+00> : vector<8xf32>
    %reduce_sum3A_31 = vector.multi_reduction <add>, %mul3A, %reduce_sum3A [1] : vector<8x4096xf32> to vector<8xf32>
    %broadcast_in_dim3A = vector.shape_cast %reduce_sum3A_31 : vector<8xf32> to vector<8x1xf32>
    %get3A_32 = arith.constant 0 : index
    %get3A_33 = arith.constant 0 : index
    %get3A_34 = vector.load %arg3[%get3A_32, %get3A_33] : memref<8x20000xf32, #tpu.memory_space<vmem>>, vector<8x20000xf32>
    %mul3A_35 = arith.mulf %get3A_34, %get3A_34 : vector<8x20000xf32>
    %reduce_sum3A_36 = arith.constant dense<0.000000e+00> : vector<8xf32>
    %reduce_sum3A_37 = vector.multi_reduction <add>, %mul3A_35, %reduce_sum3A_36 [1] : vector<8x20000xf32> to vector<8xf32>
    %broadcast_in_dim3A_38 = vector.shape_cast %reduce_sum3A_37 : vector<8xf32> to vector<8x1xf32>
    %get3A_39 = arith.constant 0 : index
    %get3A_40 = arith.constant 0 : index
    %get3A_41 = vector.load %arg1[%get3A_39, %get3A_40] : memref<1x512xf32, #tpu.memory_space<vmem>>, vector<1x512xf32>
    %iota3A_42 = tpu.iota {dimensions = array<i32: 1>} : vector<8x512xi32>
    %jit3A_43 = arith.constant 64 : i32
    %div3A = vector.broadcast %jit3A_43 : i32 to vector<8x512xi32>
    %div3A_44 = arith.divsi %iota3A_42, %div3A : vector<8x512xi32>
    %sign3A = arith.constant 0 : i32
    %sign3A_45 = vector.broadcast %sign3A : i32 to vector<8x512xi32>
    %sign3A_46 = arith.cmpi sgt, %iota3A_42, %sign3A_45 : vector<8x512xi32>
    %sign3A_47 = arith.extui %sign3A_46 : vector<8x512xi1> to vector<8x512xi32>
    %sign3A_48 = arith.constant 0 : i32
    %sign3A_49 = vector.broadcast %sign3A_48 : i32 to vector<8x512xi32>
    %sign3A_50 = arith.cmpi slt, %iota3A_42, %sign3A_49 : vector<8x512xi32>
    %sign3A_51 = arith.extui %sign3A_50 : vector<8x512xi1> to vector<8x512xi32>
    %sign3A_52 = arith.subi %sign3A_47, %sign3A_51 : vector<8x512xi32>
    %sign3A_53 = arith.constant 0 : i32
    %sign3A_54 = arith.cmpi sgt, %jit3A_43, %sign3A_53 : i32
    %sign3A_55 = arith.extui %sign3A_54 : i1 to i32
    %sign3A_56 = arith.constant 0 : i32
    %sign3A_57 = arith.cmpi slt, %jit3A_43, %sign3A_56 : i32
    %sign3A_58 = arith.extui %sign3A_57 : i1 to i32
    %sign3A_59 = arith.subi %sign3A_55, %sign3A_58 : i32
    %ne3A_60 = vector.broadcast %sign3A_59 : i32 to vector<8x512xi32>
    %ne3A_61 = arith.cmpi ne, %sign3A_52, %ne3A_60 : vector<8x512xi32>
    %rem3A_62 = vector.broadcast %jit3A_43 : i32 to vector<8x512xi32>
    %rem3A_63 = arith.remsi %iota3A_42, %rem3A_62 : vector<8x512xi32>
    %ne3A_64 = arith.constant 0 : i32
    %ne3A_65 = vector.broadcast %ne3A_64 : i32 to vector<8x512xi32>
    %ne3A_66 = arith.cmpi ne, %rem3A_63, %ne3A_65 : vector<8x512xi32>
    %and3A_67 = arith.andi %ne3A_61, %ne3A_66 : vector<8x512xi1>
    %sub3A = arith.constant 1 : i32
    %sub3A_68 = vector.broadcast %sub3A : i32 to vector<8x512xi32>
    %sub3A_69 = arith.subi %div3A_44, %sub3A_68 : vector<8x512xi32>
    %select_n3A_70 = arith.select %and3A_67, %sub3A_69, %div3A_44 : vector<8x512xi1>, vector<8x512xi32>
    %iota3A_71 = tpu.iota {dimensions = array<i32: 0>} : vector<8x512xi32>
    %eq3A_72 = arith.cmpi eq, %select_n3A_70, %iota3A_71 : vector<8x512xi32>
    %convert_element_type3A_73 = arith.extui %eq3A_72 : vector<8x512xi1> to vector<8x512xi32>
    %convert_element_type3A_74 = arith.sitofp %convert_element_type3A_73 : vector<8x512xi32> to vector<8x512xf32>
    %mul3A_75 = arith.mulf %get3A_41, %get3A_41 : vector<1x512xf32>
    %dot_general3A = arith.constant dense<0.000000e+00> : vector<8x1xf32>
    %dot_general3A_76 = tpu.matmul %convert_element_type3A_74, %mul3A_75, %dot_general3A {dimension_numbers = #tpu.dot_dimension_numbers<[1], [1], [0], [0], [0, 0, 1, 0], [], []>, precision = #tpu.contract_precision<fp32>, transpose_lhs_hint = false} : vector<8x512xf32>, vector<1x512xf32>, vector<8x1xf32> -> vector<8x1xf32>
    %add3A_77 = arith.addf %dot_general3A_76, %broadcast_in_dim3A_38 : vector<8x1xf32>
    %mul3A_78 = arith.constant 2.000000e+00 : f32
    %mul3A_79 = vector.broadcast %mul3A_78 : f32 to vector<8x1xf32>
    %mul3A_80 = arith.mulf %mul3A_79, %broadcast_in_dim3A : vector<8x1xf32>
    %sub3A_81 = arith.subf %add3A_77, %mul3A_80 : vector<8x1xf32>
    %sqrt3A = math.sqrt %sub3A_81 : vector<8x1xf32>
    %mul3A_82 = arith.constant 5.000000e-05 : f32
    %mul3A_83 = vector.broadcast %mul3A_82 : f32 to vector<8x1xf32>
    %mul3A_84 = arith.mulf %sqrt3A, %mul3A_83 : vector<8x1xf32>
    %reduce_sum3A_85 = arith.constant dense<0.000000e+00> : vector<1xf32>
    %reduce_sum3A_86 = vector.multi_reduction <add>, %mul3A_84, %reduce_sum3A_85 [0] : vector<8x1xf32> to vector<1xf32>
    %broadcast_in_dim3A_87 = vector.shape_cast %reduce_sum3A_86 : vector<1xf32> to vector<1x1xf32>
    %mul3A_88 = arith.constant 1.250000e-01 : f32
    %mul3A_89 = vector.broadcast %mul3A_88 : f32 to vector<1x1xf32>
    %mul3A_90 = arith.mulf %broadcast_in_dim3A_87, %mul3A_89 : vector<1x1xf32>
    %swap3A_91 = arith.constant 0 : index
    %swap3A_92 = arith.constant 0 : index
    %swap3A_93 = vector.load %arg5[%swap3A_91, %swap3A_92] : memref<1x1xf32, #tpu.memory_space<vmem>>, vector<1x1xf32>
    tpu.vector_store %arg5[%swap3A_91, %swap3A_92], %mul3A_90 {strides = array<i32>} : memref<1x1xf32, #tpu.memory_space<vmem>>, vector<1x1xf32>,
    %get3A_94 = arith.constant 0 : index
    %get3A_95 = arith.constant 0 : index
    %get3A_96 = vector.load %arg2[%get3A_94, %get3A_95] : memref<1x1xf32, #tpu.memory_space<vmem>>, vector<1x1xf32>
    %mul3A_97 = arith.constant 9.99999974E-5 : f32
    %mul3A_98 = vector.broadcast %mul3A_97 : f32 to vector<1x1xf32>
    %mul3A_99 = arith.mulf %get3A_96, %mul3A_98 : vector<1x1xf32>
    %swap3A_100 = arith.constant 0 : index
    %swap3A_101 = arith.constant 0 : index
    %swap3A_102 = vector.load %arg6[%swap3A_100, %swap3A_101] : memref<1x1xf32, #tpu.memory_space<vmem>>, vector<1x1xf32>
    tpu.vector_store %arg6[%swap3A_100, %swap3A_101], %mul3A_99 {strides = array<i32>} : memref<1x1xf32, #tpu.memory_space<vmem>>, vector<1x1xf32>,
    return
  }
}

</mosaic_0001>

<sc_bundles>
// kernel: kernel.5.cloned.1.call-start
scs
__scs_entry_jumppad:
0x0: {  	(pc) =	sbr.rel $0x88, $3  }
0x1: {  	(tag) =	ssettag $0x0;
	lr =	simm.s32 $0x1  }
0x2: {  	[smem:$0x3F9C] =	sst lr;
	_ =	strace $0xD0000000  }
0x3: {  	_ = 	snop  }
0x4: {  	_ = 	snop  }
0x5: {  	_ = 	snop  }
0x6: {  	_ = 	snop  }
0x7: {  	_ = 	snop  }
__scs_overlays_trampoline_lowered:
0x8: {  	[smem:$0x3FAB] =	sst s0  }
0x9: {  	[smem:$0x3FAC] =	sst s1  }
0xa: {  	[smem:$0x3FAD] =	sst s2  }
0xb: {  	[smem:$0x3FAE] =	sst s3  }
0xc: {  	[smem:$0x3FAF] =	sst s4  }
0xd: {  	[smem:$0x3FB0] =	sst s5  }
0xe: {  	[smem:$0x3FB1] =	sst s6  }
0xf: {  	[smem:$0x3FB2] =	sst s7  }
0x10: {  	[smem:$0x3FB3] =	sst s8  }
0x11: {  	[smem:$0x3FB4] =	sst s9;
	s0 =	simm.s32 @!p0 $0x0  }
0x12: {  	s1 =	sld [smem:$0x3F9A];
	s0 =	simm.s32 @p0 $0x1  }
0x13: {  	[smem:$0x3FB5] =	sst s0;
	s0 =	simm.s32 @!p1 $0x0  }
0x14: {  	s2 =	sld [smem:$0x3F99];
	s0 =	simm.s32 @p1 $0x1  }
0x15: {  	[smem:$0x3FB6] =	sst s0;
	s0 =	simm.s32 @!p2 $0x0  }
0x16: {  	s3 =	sld [smem:$0x3FDB];
	s0 =	simm.s32 @p2 $0x1  }
0x17: {  	s4 =	simm.s32 $0x1BF5;
	[smem:$0x3FB8] =	sst s0  }
0x18: {  	s0 =	sld [smem:$0x3F9B];
	_ =	swait.ge [sflag:s4], $0x0  }
0x19: {  	s7 =	sld [smem:$0x3F9C]  }
0x1a: {  	s8 =	sadd.s32 $0xFFFFE003, lr  }
0x1b: {  	s9 =	sadd.s32 $0xFFFFFEF7, lr;
	s5 =	simm.s32 $0xFFFFFFFF;
	p2 =	slt.u32 s8, $0xFFFFF086  }
0x1c: {  	p1 =	slt.u32 s9, $0xF7A;
	s5 =	simm.s32 @!p2 $0x0  }
0x1d: {  	s5 =	simm.s32 @p1 $0x1;
	p0 =	seq.s32 s7, s2  }
0x1e: {  	s7 =	smul.u32 @!p0 $0xF7A, s2;
	p2 =	seq.s32 @!p0 s5, $0x0  }
0x1f: {  	s9 =	smul.u32 $0xF7A, s1;
	s8 =	simm.s32 @!p0 $0x1BF5;
	p2 =	por !p2, p0  }
0x20: {  	[sflag:s8] =	ssyncset.s32 @!p0 $0xFFFFF086;
	s6 =	sadd.s32 @!p0 s3, s7;
	s7 =	simm.s32 @!p0 $0x108  }
0x21: {  	s3 =	sadd.s32 s3, s9;
	s6 =	sadd.s32 @!p0 $0x88, s6;
	s7 =	simm.s32 @p2 $0x1082  }
0x22: {  	[simem:s7], [sflag:s8] =	dma.local @!p0 [hbm:s6], $0xF7A  }
0x23: {  	s9 =	sor.u32 $0xD0000000, s2;
	s6 =	simm.s32 $0x108;
	_ =	swait.ge @!p0 [sflag:s8], $0x0  }
0x24: {  	s3 =	sadd.s32 $0x88, s3;
	s6 =	simm.s32 @!p1 $0x1082;
	[sflag:s4] =	ssyncset.s32 $0xFFFFF086  }
0x25: {  	[simem:s6], [sflag:s4] =	dma.local [hbm:s3], $0xF7A  }
0x26: {  	[smem:$0x3F9C] =	sst s1;
	(tag) =	ssettag s2;
	_ =	strace s9  }
0x27: {  	s1 =	sld [smem:$0x3FAC]  }
0x28: {  	s2 =	sld [smem:$0x3FAD]  }
0x29: {  	s4 =	sld [smem:$0x3FAF]  }
0x2a: {  	p0 =	seq.s32 s5, $0x0;
	s5 =	sld [smem:$0x3FB0]  }
0x2b: {  	s6 =	sld [smem:$0x3FB1]  }
0x2c: {  	s7 =	sld [smem:$0x3FB2]  }
0x2d: {  	s3 =	simm.s32 $0x108;
	s8 =	sld [smem:$0x3FB3]  }
0x2e: {  	s3 =	simm.s32 @!p0 $0x1082;
	s9 =	sld [smem:$0x3FB4]  }
0x2f: {  	lr =	sadd.s32 s0, s3;
	s0 =	sld [smem:$0x3FAB]  }
0x30: {  	s3 =	sld [smem:$0x3FAE]  }
0x31: {  	[smem:$0x3FB7] =	sst s10  }
0x32: {  	s10 =	sld [smem:$0x3FB5];
	_ =	sdelay $0x3  }
0x33: {  	p0 =	seq.s32 s10, $0x1;
	s10 =	sld [smem:$0x3FB7];
	_ =	sdelay $0x3  }
0x34: {  	[smem:$0x3FB7] =	sst s10  }
0x35: {  	s10 =	sld [smem:$0x3FB6];
	_ =	sdelay $0x3  }
0x36: {  	p1 =	seq.s32 s10, $0x1;
	s10 =	sld [smem:$0x3FB7];
	_ =	sdelay $0x3  }
0x37: {  	[smem:$0x3FB7] =	sst s10  }
0x38: {  	s10 =	sld [smem:$0x3FB8]  }
0x39: {  	_ = 	snop;
	(pc) =	sbr.ind lr, $3  }
0x3a: {  	_ = 	snop  }
0x3b: {  	_ = 	snop  }
0x3c: {  	p2 =	seq.s32 s10, $0x1;
	s10 =	sld [smem:$0x3FB7]  }
0x3d: {  	_ =	shalt  }
0x3e: {  	_ =	shalt  }
0x3f: {  	_ =	shalt  }
0x40: {  	_ =	shalt  }
0x41: {  	_ =	shalt  }
0x42: {  	_ =	shalt  }
0x43: {  	_ =	shalt  }
0x44: {  	_ =	shalt  }
0x45: {  	_ =	shalt  }
0x46: {  	_ =	shalt  }
0x47: {  	_ =	shalt  }
0x48: {  	_ =	shalt  }
0x49: {  	_ =	shalt  }
0x4a: {  	_ =	shalt  }
0x4b: {  	_ =	shalt  }
0x4c: {  	_ =	shalt  }
0x4d: {  	_ =	shalt  }
0x4e: {  	_ =	shalt  }
0x4f: {  	_ =	shalt  }
0x50: {  	_ =	shalt  }
0x51: {  	_ =	shalt  }
0x52: {  	_ =	shalt  }
0x53: {  	_ =	shalt  }
0x54: {  	_ =	shalt  }
0x55: {  	_ =	shalt  }
0x56: {  	_ =	shalt  }
0x57: {  	_ =	shalt  }
0x58: {  	_ =	shalt  }
0x59: {  	_ =	shalt  }
0x5a: {  	_ =	shalt  }
0x5b: {  	_ =	shalt  }
0x5c: {  	_ =	shalt  }
0x5d: {  	_ =	shalt  }
0x5e: {  	_ =	shalt  }
0x5f: {  	_ =	shalt  }
0x60: {  	_ =	shalt  }
0x61: {  	_ =	shalt  }
0x62: {  	_ =	shalt  }
0x63: {  	_ =	shalt  }
0x64: {  	_ =	shalt  }
0x65: {  	_ =	shalt  }
0x66: {  	_ =	shalt  }
0x67: {  	_ =	shalt  }
0x68: {  	_ =	shalt  }
0x69: {  	_ =	shalt  }
0x6a: {  	_ =	shalt  }
0x6b: {  	_ =	shalt  }
0x6c: {  	_ =	shalt  }
0x6d: {  	_ =	shalt  }
0x6e: {  	_ =	shalt  }
0x6f: {  	_ =	shalt  }
0x70: {  	_ =	shalt  }
0x71: {  	_ =	shalt  }
0x72: {  	_ =	shalt  }
0x73: {  	_ =	shalt  }
0x74: {  	_ =	shalt  }
0x75: {  	_ =	shalt  }
0x76: {  	_ =	shalt  }
0x77: {  	_ =	shalt  }
0x78: {  	_ =	shalt  }
0x79: {  	_ =	shalt  }
0x7a: {  	_ =	shalt  }
0x7b: {  	_ =	shalt  }
0x7c: {  	_ =	shalt  }
0x7d: {  	_ =	shalt  }
0x7e: {  	_ =	shalt  }
0x7f: {  	_ =	shalt  }
0x80: {  	_ =	shalt  }
0x81: {  	_ =	shalt  }
0x82: {  	_ =	shalt  }
0x83: {  	_ =	shalt  }
0x84: {  	_ =	shalt  }
0x85: {  	_ =	shalt  }
0x86: {  	_ =	shalt  }
0x87: {  	_ =	shalt  }
.Lfunc_end0:
.L_simem_size_0:
called_computation_lowered:
.L_overlay_start_0:
0x88: {  	s2 =	sld [smem:$0x3FD9]  }
0x89: {  	s3 =	sld [smem:$0x3FFE];
	_ =	sdelay $0x1  }
0x8a: {  	s1 =	srdreg.scid  }
0x8b: {  	s0 =	sand.u32 $0x1, s1  }
0x8c: {  	s14 =	sshll.u32 s0, $0xA;
	s2 =	sadd.s32 s3, s2  }
0x8d: {  	s2 =	sadd.s32 s2, s14  }
0x8e: {  	[smem:$0x3FC3] =	sst s2  }
0x8f: {  	_ = 	snop  }
0x90: {  	s2 =	sld [smem:$0x3FD0];
	_ =	sdelay $0x2  }
0x91: {  	s4 =	simm.s32 $0xA;
	s5 =	simm.s32 $0x10;
	s15 =	sld [smem:$0x3FC7]  }
0x92: {  	[smem:s5], [sflag:s4] =	dma.local [hbm:s2], $0x1  }
0x93: {  	_ =	swait.eq [sflag:s4], $0x1  }
0x94: {  	[sflag:s4] =	ssyncset.done $0x0  }
0x95: {  	[sflag:s4] =	ssyncadd.s32 $0xFFFFFFFF  }
0x96: {  	s16 =	sld [smem:$0x11];
	(tm) =	ssettm $0x1  }
0x97: {  	s17 =	sld [smem:$0x3FFB];
	_ =	sdelay $0x3  }
0x98: {  	_ =	strace s17  }
0x99: {  	s4 =	sld [smem:$0x3FFC];
	_ =	sdelay $0x3  }
0x9a: {  	_ =	strace s4  }
0x9b: {  	s4 =	sld [smem:$0x3FFD];
	_ =	sdelay $0x3  }
0x9c: {  	_ =	strace s4  }
0x9d: {  	_ =	strace $0x8FFFFFFF  }
0x9e: {  	s18 =	sld [smem:$0x3FDB];
	_ =	sdelay $0x1  }
0x9f: {  	s19 =	simm.s32 $_scs_section_size  }
0xa0: {  	s6 =	simm.s32 $_size__tile_overlayer_lowered;
	s7 =	simm.s32 $_tile_overlayer_lowered  }
0xa1: {  	s22 =	simm.s32 $0x1BFF;
	s21 =	sshll.u32 s7, $0x1;
	s4 =	sadd.s32 s19, s18  }
0xa2: {  	s8 =	simm.s32 $0x0;
	s20 =	sshll.u32 s6, $0x1;
	s6 =	sadd.s32 s21, s4  }
0xa3: {  	[timem:s8], [sflag:s22] =	dma.local [hbm:s6], s20  }
0xa4: {  	_ =	swait.ge [sflag:s22], s20  }
0xa5: {  	s5 =	ssub.s32 $0x0, s20;
	[sflag:s22] =	ssyncset.done $0x0  }
0xa6: {  	[sflag:s22] =	ssyncadd.s32 s5;
	_ =	sdelay $0x1  }
0xa7: {  	s23 =	simm.s32 $0x1B8B  }
0xa8: {  	_ =	swait.ge [sflag:s23], $0x1  }
0xa9: {  	[sflag:s23] =	ssyncset.done $0x0  }
0xaa: {  	s25 =	simm.s32 $0x1B8E;
	s24 =	sld [smem:$0x3FFE];
	[sflag:s23] =	ssyncadd.s32 $0xFFFFFFFF  }
0xab: {  	s26 =	simm.s32 $execute0_lowered;
	[smem:$0x3FD2] =	sst s25  }
0xac: {  	s6 =	sshll.u32 s26, $0x1;
	_ =	strace $0x80000046;
	[dreg:$0x1] =	wrdreg $0xFFFFFFFF  }
0xad: {  	s28 =	simm.s32 $_size_execute0_lowered;
	s4 =	sadd.s32 s4, s6;
	[dreg:$0x0] =	wrdreg $0x0  }
0xae: {  	s6 =	sshll.u32 s28, $0x1;
	[dreg:$0x2] =	wrdreg s4  }
0xaf: {  	[dreg:$0x3] =	wrdreg s6  }
0xb0: {  	[dreg:$0x4] =	wrdreg $0xC0  }
0xb1: {  	_ =	task [dreg:s8], $0x5FFFF  }
0xb2: {  	[dreg:$0x1] =	wrdreg $0xFFFFFFFF  }
0xb3: {  	[dreg:$0x0] =	wrdreg $0x60  }
0xb4: {  	[dreg:$0x2] =	wrdreg s16  }
0xb5: {  	[dreg:$0x3] =	wrdreg s24  }
0xb6: {  	[dreg:$0x4] =	wrdreg s15  }
0xb7: {  	[dreg:$0x5] =	wrdreg $0x9  }
0xb8: {  	_ =	task.clear_ibuf [dreg:s8], $0x6FFFF;
	_ =	strace $0x90000046  }
0xb9: {  	s29 =	simm.s32 $0x9;
	_ =	strace $0x80000048  }
0xba: {  	_ =	swait.ge [sflag:s29], $0x1  }
0xbb: {  	[sflag:s29] =	ssyncadd.s32 $0xFFFFFFFF  }
0xbc: {  	_ =	strace $0x90000048  }
0xbd: {  	_ =	sfence  }
0xbe: {  	s30 =	sld [smem:$0x0];
	_ =	sdelay $0x2  }
0xbf: {  	s31 =	sshll.u32 s1, $0xD;
	s1 =	sshrl.u32 s1, $0x2  }
0xc0: {  	s3 =	sand.u32 $0x4000, s31;
	s1 =	sadd.s32 s1, s30  }
0xc1: {  	s0 =	sor.u32 s3, s0;
	s1 =	sshll.u32 s1, $0x11  }
0xc2: {  	s0 =	sor.u32 s1, s0  }
0xc3: {  	s0 =	sadd.s32 $0x8F2B, s0  }
0xc4: {  	[sflag:s0] =	ssyncadd.remote.s32 $0x1  }
0xc5: {  	_ =	sfence.sel $0xFFFF  }
0xc6: {  	[dreg:$0x0] =	wrdreg $0xFFFFFFFF;
	(pc) =	sbr.abs _section_cstart, $3  }
0xc7: {  	[dreg:$0x1] =	wrdreg $0xFFFFFFFF  }
0xc8: {  	_ =	task.clear_ibuf [dreg:s8], $0x2FFFF;
	_ =	strace $0x9FFFFFFF  }
0xc9: {  	(tm) =	ssettm $0x7FFFFFFF  }
tec
execute0_lowered:
.L_overlay_start_1:
0x0: {  	(tag) =	ssettag $0x1  }
0x1: {  	s1 =	rddreg [dreg:$0x0]  }
0x2: {  	s4 =	rddreg [dreg:$0x1]  }
0x3: {  	s2 =	srdreg.scid;
	s0 =	stileid.u32  }
0x4: {  	s6 =	rddreg [dreg:$0x2];
	s3 =	simm.s32 $0x0;
	s12 =	simm.s32 $0x4F80  }
0x5: {  	s13 =	simm.s32 $0x6380;
	s14 =	simm.s32 $0x80;
	s15 =	simm.s32 $0x400  }
0x6: {  	s16 =	simm.s32 $0x16380;
	s5 =	sand.u32 $0x1, s2;
	s2 =	rddreg [dreg:$0x3]  }
0x7: {  	s17 =	simm.s32 $0x0;
	s7 =	sshll.u32 s0, $0x1;
	[smem:$0x7FF] =	sst s3  }
0x8: {  	s10 =	sshll.u32 s0, $0xA;
	s7 =	sor.u32 s5, s7;
	_ =	strace $0x80000047  }
0x9: {  	s5 =	ssub.s32 $0x2, s5;
	s10 =	sand.u32 $0x3000, s10;
	s8 =	smul.u32 $0x271, s7  }
0xa: {  	s11 =	sshrl.u32 s5, $0x1;
	s7 =	sshll.u32 s7, $0x4;
	s10 =	sadd.s32 s10, s4  }
0xb: {  	s11 =	ssub.s32 s5, s11;
	s7 =	sand.u32 $0x70, s7;
	s9 =	sadd.s32 s8, s4  }
0xc: {  	s7 =	sadd.s32 s7, s10;
	s6 =	sadd.s32 s6, s8;
	s8 =	smax.u32 s11, $0x1  }
0xd: {  	v1 =	vlaneseq.u32;
	s10 =	simm.s32 $0x2780;
	s11 =	simm.s32 $0x3B80;
	s4 =	sadd.s32 $0x5800, s9  }
0xe: {  	vm0 =	vmmov $0xff;
	v0 =	vimm.f32 $0.0e+00;
	v1 =	vmul.u32 $0x1000, v1;
	s5 =	sadd.s32 $0x800, s9;
	s7 =	sadd.s32 $0xA800, s7;
	s9 =	simm.s32 $0x1  }
.LBB2_1:
0xf: {  	[tilespmem:s3], [sflag:$0x1] =	stream.linear.gather [hbm4b:s1+s3], $0x2780, $0x38;
	[tilespmem:$0x17380] =	vst v63  }
0x10: {  	_ =	swait.ge [sflag:s9], $0x2780  }
0x11: {  	[sflag:s9] =	ssyncset.done $0x0  }
0x12: {  	[sflag:s9] =	ssyncadd.s32 $0xFFFFD880  }
0x13: {  	[tilespmem:s10], [sflag:$0x1] =	stream.linear.gather [hbm4b:s4+s3], $0x1388, $0x38;
	[tilespmem:$0x17380] =	vst v63  }
0x14: {  	_ =	swait.ge [sflag:s9], $0x1388  }
0x15: {  	[sflag:s9] =	ssyncset.done $0x0  }
0x16: {  	[sflag:s9] =	ssyncadd.s32 $0xFFFFEC78  }
0x17: {  	[tilespmem:s11], [sflag:$0x1] =	stream.linear.gather [hbm4b:s5+s3], $0x1388, $0x38;
	[tilespmem:$0x17380] =	vst v63  }
0x18: {  	_ =	swait.ge [sflag:s9], $0x1388  }
0x19: {  	[sflag:s9] =	ssyncset.done $0x0  }
0x1a: {  	[sflag:s9] =	ssyncadd.s32 $0xFFFFEC78  }
0x1b: {  	[tilespmem:s12], [sflag:$0x1] =	stream.linear.gather [hbm4b:s6+s3], $0x1388, $0x38;
	[tilespmem:$0x17380] =	vst v63  }
0x1c: {  	_ =	swait.ge [sflag:s9], $0x1388  }
0x1d: {  	[sflag:s9] =	ssyncset.done $0x0  }
0x1e: {  	[sflag:s9] =	ssyncadd.s32 $0xFFFFEC78  }
0x1f: {  	v2 =	vld [tilespmem:$0x3B00]  }
0x20: {  	v3 =	vld [tilespmem:$0x4F00]  }
0x21: {  	v4 =	vld [tilespmem:$0x6300];
	_ =	sdelay $0x2  }
0x22: {  	v2 =	vnsel vm0, $0x0, v2  }
0x23: {  	[tilespmem:$0x3B00] =	vst v2;
	v2 =	vnsel vm0, $0x0, v3  }
0x24: {  	[tilespmem:$0x4F00] =	vst v2;
	v2 =	vnsel vm0, $0x0, v4  }
0x25: {  	s20 =	simm.s32 $0x6400;
	[tilespmem:$0x6300] =	vst v2  }
0x26: {  	[tilespmem:s20+$0xFFFFFF80] =	vst v0  }
0x27: {  	[tilespmem:s20+$0x70] =	vst v0  }
0x28: {  	[tilespmem:s20+$0x60] =	vst v0  }
0x29: {  	[tilespmem:s20+$0x50] =	vst v0  }
0x2a: {  	[tilespmem:s20+$0x40] =	vst v0  }
0x2b: {  	[tilespmem:s20+$0x30] =	vst v0  }
0x2c: {  	[tilespmem:s20+$0x20] =	vst v0  }
0x2d: {  	[tilespmem:s20+$0x10] =	vst v0  }
0x2e: {  	[tilespmem:s20+$0x0] =	vst v0  }
0x2f: {  	[tilespmem:s20+$0xFFFFFFF0] =	vst v0  }
0x30: {  	[tilespmem:s20+$0xFFFFFFE0] =	vst v0  }
0x31: {  	[tilespmem:s20+$0xFFFFFFD0] =	vst v0  }
0x32: {  	[tilespmem:s20+$0xFFFFFFC0] =	vst v0  }
0x33: {  	s22 =	simm.s32 $0x0;
	[tilespmem:s20+$0xFFFFFFB0] =	vst v0  }
0x34: {  	s21 =	simm.s32 $0x27C0;
	s18 =	simm.s32 $0x3BC0;
	s19 =	simm.s32 $0x4FC0;
	[tilespmem:s20+$0xFFFFFFA0] =	vst v0  }
.LBB2_2:
0x35: {  	s22 =	sadd.s32 $0x100, s22;
	[tilespmem:s20+$0xFFFFFF90] =	vst v0;
	s20 =	sadd.s32 $0x100, s20  }
0x36: {  	[tilespmem:s20+$0xFFFFFF80] =	vst v0;
	p0 =	slt.u32 s22, $0xFF00  }
0x37: {  	[tilespmem:s20+$0x70] =	vst v0  }
0x38: {  	[tilespmem:s20+$0x60] =	vst v0  }
0x39: {  	[tilespmem:s20+$0x50] =	vst v0  }
0x3a: {  	[tilespmem:s20+$0x40] =	vst v0  }
0x3b: {  	[tilespmem:s20+$0x30] =	vst v0  }
0x3c: {  	[tilespmem:s20+$0x20] =	vst v0  }
0x3d: {  	[tilespmem:s20+$0x10] =	vst v0  }
0x3e: {  	[tilespmem:s20+$0x0] =	vst v0  }
0x3f: {  	[tilespmem:s20+$0xFFFFFFF0] =	vst v0  }
.Ltmp0:
0x40: {  	[tilespmem:s20+$0xFFFFFFE0] =	vst v0;
	(pc) =	sbr.rel @p0 .LBB2_2-.Ltmp0, $4  }
0x41: {  	[tilespmem:s20+$0xFFFFFFD0] =	vst v0  }
0x42: {  	[tilespmem:s20+$0xFFFFFFC0] =	vst v0  }
0x43: {  	[tilespmem:s20+$0xFFFFFFB0] =	vst v0  }
0x44: {  	[tilespmem:s20+$0xFFFFFFA0] =	vst v0  }
0x45: {  	[tilespmem:s20+$0xFFFFFF90] =	vst v0  }
0x46: {  	v2 =	vld [tilespmem:s21+$0x30]  }
0x47: {  	v3 =	vld [tilespmem:s18+$0x30]  }
0x48: {  	v4 =	vld [tilespmem:s21+$0xFFFFFFD0]  }
0x49: {  	v5 =	vld [tilespmem:s21+$0xFFFFFFE0]  }
0x4a: {  	v6 =	vld [tilespmem:s21+$0xFFFFFFF0]  }
0x4b: {  	v7 =	vld [tilespmem:s21+$0x0]  }
0x4c: {  	v8 =	vld [tilespmem:s21+$0x10]  }
0x4d: {  	v9 =	vld [tilespmem:s21+$0x20]  }
0x4e: {  	v10 =	vld [tilespmem:s21+$0xFFFFFFC0]  }
0x4f: {  	v11 =	vld [tilespmem:s18+$0xFFFFFFC0]  }
0x50: {  	v12 =	vld [tilespmem:s18+$0xFFFFFFD0]  }
0x51: {  	v13 =	vld [tilespmem:s18+$0xFFFFFFE0]  }
0x52: {  	v14 =	vld [tilespmem:s18+$0xFFFFFFF0]  }
0x53: {  	v15 =	vld [tilespmem:s18+$0x0]  }
0x54: {  	v16 =	vld [tilespmem:s18+$0x10]  }
0x55: {  	v17 =	vld [tilespmem:s18+$0x20]  }
0x56: {  	v57 =	vld [tilespmem:s19+$0xFFFFFFC0]  }
0x57: {  	v58 =	vld [tilespmem:s19+$0xFFFFFFD0]  }
0x58: {  	v59 =	vld [tilespmem:s19+$0xFFFFFFE0]  }
0x59: {  	v2 =	vld.idx.msk [tilespmem:v2+s3+$0x0], $0xffff  }
0x5a: {  	v3 =	vld.idx.msk [tilespmem:v3+s3+$0x0], $0xffff  }
0x5b: {  	v10 =	vld.idx.msk [tilespmem:v10+s3+$0x0], $0xffff  }
0x5c: {  	v4 =	vld.idx.msk [tilespmem:v4+s3+$0x0], $0xffff  }
0x5d: {  	v47 =	vld.idx.msk [tilespmem:v7+s3+$0x0], $0xffff  }
0x5e: {  	v48 =	vld.idx.msk [tilespmem:v8+s3+$0x0], $0xffff  }
0x5f: {  	v49 =	vld.idx.msk [tilespmem:v9+s3+$0x0], $0xffff  }
0x60: {  	v50 =	vld.idx.msk [tilespmem:v11+s3+$0x0], $0xffff;
	v2 =	vshll.u32 v2, $0x6  }
0x61: {  	v51 =	vld.idx.msk [tilespmem:v12+s3+$0x0], $0xffff;
	v2 =	vadd.s32 v3, v2  }
0x62: {  	v3 =	vld [tilespmem:s19+$0x30];
	v2 =	vadd.s32 v1, v2  }
0x63: {  	v52 =	vld.idx.msk [tilespmem:v13+s3+$0x0], $0xffff  }
0x64: {  	v54 =	vld.idx.msk [tilespmem:v15+s3+$0x0], $0xffff  }
0x65: {  	v55 =	vld.idx.msk [tilespmem:v16+s3+$0x0], $0xffff  }
0x66: {  	v56 =	vld.idx.msk [tilespmem:v17+s3+$0x0], $0xffff  }
0x67: {  	[tilespmem:v2+s13+$0x0] =	vst.idx.add.f32.msk $0xffff, v3  }
0x68: {  	v10 =	vshll.u32 v10, $0x6;
	v2 =	vld.idx.msk [tilespmem:v5+s3+$0x0], $0xffff  }
0x69: {  	v4 =	vshll.u32 v4, $0x6;
	v8 =	vadd.s32 v50, v10;
	v3 =	vld.idx.msk [tilespmem:v6+s3+$0x0], $0xffff  }
0x6a: {  	v53 =	vld.idx.msk [tilespmem:v14+s3+$0x0], $0xffff;
	v7 =	vshll.u32 v49, $0x6;
	v4 =	vadd.s32 v51, v4;
	v8 =	vadd.s32 v1, v8  }
0x6b: {  	v60 =	vld [tilespmem:s19+$0xFFFFFFF0];
	v7 =	vadd.s32 v56, v7;
	v4 =	vadd.s32 v1, v4;
	v5 =	vshll.u32 v47, $0x6  }
0x6c: {  	v63 =	vld [tilespmem:s19+$0x20];
	v7 =	vadd.s32 v1, v7;
	v6 =	vshll.u32 v48, $0x6;
	v5 =	vadd.s32 v54, v5  }
0x6d: {  	v61 =	vld [tilespmem:s19+$0x0];
	v6 =	vadd.s32 v55, v6;
	v5 =	vadd.s32 v1, v5;
	v2 =	vshll.u32 v2, $0x6  }
0x6e: {  	v62 =	vld [tilespmem:s19+$0x10];
	v6 =	vadd.s32 v1, v6;
	v3 =	vshll.u32 v3, $0x6;
	v2 =	vadd.s32 v52, v2  }
0x6f: {  	[tilespmem:v8+s13+$0x0] =	vst.idx.add.f32.msk $0xffff, v57;
	v3 =	vadd.s32 v53, v3;
	v2 =	vadd.s32 v1, v2  }
0x70: {  	[tilespmem:v4+s13+$0x0] =	vst.idx.add.f32.msk $0xffff, v58;
	v3 =	vadd.s32 v1, v3  }
0x71: {  	[tilespmem:v7+s13+$0x0] =	vst.idx.add.f32.msk $0xffff, v63  }
0x72: {  	[tilespmem:v5+s13+$0x0] =	vst.idx.add.f32.msk $0xffff, v61  }
0x73: {  	[tilespmem:v6+s13+$0x0] =	vst.idx.add.f32.msk $0xffff, v62  }
0x74: {  	[tilespmem:v2+s13+$0x0] =	vst.idx.add.f32.msk $0xffff, v59  }
0x75: {  	s20 =	simm.s32 $0x0;
	s21 =	simm.s32 $0x2840;
	[tilespmem:v3+s13+$0x0] =	vst.idx.add.f32.msk $0xffff, v60  }
.LBB2_4:
0x76: {  	v2 =	vld [tilespmem:s21+$0x30];
	s20 =	sadd.s32 $0x80, s20;
	s18 =	sadd.s32 $0x80, s18  }
0x77: {  	v3 =	vld [tilespmem:s18+$0x30];
	p0 =	slt.u32 s20, $0x1300  }
0x78: {  	v4 =	vld [tilespmem:s21+$0xFFFFFFD0]  }
0x79: {  	v5 =	vld [tilespmem:s21+$0xFFFFFFE0]  }
0x7a: {  	v6 =	vld [tilespmem:s21+$0xFFFFFFF0]  }
0x7b: {  	v7 =	vld [tilespmem:s21+$0x0]  }
0x7c: {  	v8 =	vld [tilespmem:s21+$0x10]  }
0x7d: {  	v9 =	vld [tilespmem:s21+$0x20]  }
0x7e: {  	v2 =	vld.idx.msk [tilespmem:v2+s3+$0x0], $0xffff  }
0x7f: {  	v3 =	vld.idx.msk [tilespmem:v3+s3+$0x0], $0xffff  }
0x80: {  	v10 =	vld [tilespmem:s21+$0xFFFFFFC0]  }
0x81: {  	v11 =	vld [tilespmem:s18+$0xFFFFFFC0]  }
0x82: {  	v12 =	vld [tilespmem:s18+$0xFFFFFFD0]  }
0x83: {  	v13 =	vld [tilespmem:s18+$0xFFFFFFE0]  }
0x84: {  	v2 =	vshll.u32 v2, $0x6;
	v14 =	vld [tilespmem:s18+$0xFFFFFFF0]  }
0x85: {  	s19 =	sadd.s32 $0x80, s19;
	v2 =	vadd.s32 v3, v2;
	v15 =	vld [tilespmem:s18+$0x0]  }
0x86: {  	v2 =	vadd.s32 v1, v2;
	v3 =	vld [tilespmem:s19+$0x30]  }
0x87: {  	v16 =	vld [tilespmem:s18+$0x10]  }
0x88: {  	v17 =	vld [tilespmem:s18+$0x20]  }
0x89: {  	v10 =	vld.idx.msk [tilespmem:v10+s3+$0x0], $0xffff  }
0x8a: {  	v4 =	vld.idx.msk [tilespmem:v4+s3+$0x0], $0xffff  }
0x8b: {  	[tilespmem:v2+s13+$0x0] =	vst.idx.add.f32.msk $0xffff, v3  }
0x8c: {  	v2 =	vld.idx.msk [tilespmem:v5+s3+$0x0], $0xffff  }
0x8d: {  	v3 =	vld.idx.msk [tilespmem:v6+s3+$0x0], $0xffff  }
0x8e: {  	v5 =	vld.idx.msk [tilespmem:v7+s3+$0x0], $0xffff  }
0x8f: {  	v6 =	vshll.u32 v10, $0x6;
	v7 =	vld.idx.msk [tilespmem:v8+s3+$0x0], $0xffff  }
0x90: {  	v4 =	vshll.u32 v4, $0x6;
	v8 =	vld.idx.msk [tilespmem:v9+s3+$0x0], $0xffff  }
0x91: {  	v9 =	vld.idx.msk [tilespmem:v11+s3+$0x0], $0xffff  }
0x92: {  	v2 =	vshll.u32 v2, $0x6;
	v10 =	vld.idx.msk [tilespmem:v12+s3+$0x0], $0xffff  }
0x93: {  	v3 =	vshll.u32 v3, $0x6;
	v11 =	vld.idx.msk [tilespmem:v13+s3+$0x0], $0xffff  }
0x94: {  	v5 =	vshll.u32 v5, $0x6;
	v12 =	vld.idx.msk [tilespmem:v14+s3+$0x0], $0xffff  }
0x95: {  	v7 =	vshll.u32 v7, $0x6;
	v13 =	vld.idx.msk [tilespmem:v15+s3+$0x0], $0xffff  }
0x96: {  	v8 =	vshll.u32 v8, $0x6;
	v14 =	vld.idx.msk [tilespmem:v16+s3+$0x0], $0xffff  }
0x97: {  	v6 =	vadd.s32 v9, v6;
	v9 =	vld.idx.msk [tilespmem:v17+s3+$0x0], $0xffff  }
0x98: {  	v6 =	vadd.s32 v1, v6;
	v4 =	vadd.s32 v10, v4;
	v15 =	vld [tilespmem:s19+$0xFFFFFFC0]  }
0x99: {  	v4 =	vadd.s32 v1, v4;
	v2 =	vadd.s32 v11, v2;
	v10 =	vld [tilespmem:s19+$0xFFFFFFD0]  }
0x9a: {  	v2 =	vadd.s32 v1, v2;
	v3 =	vadd.s32 v12, v3;
	v11 =	vld [tilespmem:s19+$0xFFFFFFE0]  }
0x9b: {  	v3 =	vadd.s32 v1, v3;
	v5 =	vadd.s32 v13, v5;
	v12 =	vld [tilespmem:s19+$0xFFFFFFF0]  }
0x9c: {  	v5 =	vadd.s32 v1, v5;
	v7 =	vadd.s32 v14, v7;
	v13 =	vld [tilespmem:s19+$0x0]  }
0x9d: {  	v7 =	vadd.s32 v1, v7;
	v8 =	vadd.s32 v9, v8;
	v14 =	vld [tilespmem:s19+$0x10]  }
0x9e: {  	v8 =	vadd.s32 v1, v8;
	v9 =	vld [tilespmem:s19+$0x20]  }
0x9f: {  	[tilespmem:v6+s13+$0x0] =	vst.idx.add.f32.msk $0xffff, v15  }
0xa0: {  	[tilespmem:v4+s13+$0x0] =	vst.idx.add.f32.msk $0xffff, v10  }
.Ltmp1:
0xa1: {  	[tilespmem:v2+s13+$0x0] =	vst.idx.add.f32.msk $0xffff, v11;
	(pc) =	sbr.rel @p0 .LBB2_4-.Ltmp1, $4  }
0xa2: {  	[tilespmem:v3+s13+$0x0] =	vst.idx.add.f32.msk $0xffff, v12  }
0xa3: {  	[tilespmem:v5+s13+$0x0] =	vst.idx.add.f32.msk $0xffff, v13  }
0xa4: {  	[tilespmem:v7+s13+$0x0] =	vst.idx.add.f32.msk $0xffff, v14  }
0xa5: {  	s21 =	sadd.s32 $0x80, s21;
	[tilespmem:v8+s13+$0x0] =	vst.idx.add.f32.msk $0xffff, v9  }
0xa6: {  	v2 =	vld [tilespmem:$0x3B00]  }
0xa7: {  	v3 =	vld [tilespmem:$0x4F00];
	_ =	sdelay $0x5  }
0xa8: {  	s18 =	simm.s32 $0x0  }
0xa9: {  	v2 =	vld.idx.msk [tilespmem:v2+s18+$0x0], $0xffff  }
0xaa: {  	v3 =	vld.idx.msk [tilespmem:v3+s18+$0x0], $0xffff;
	_ =	sdelay $0x3  }
0xab: {  	v2 =	vshll.u32 v2, $0x6  }
0xac: {  	v2 =	vadd.s32 v3, v2  }
0xad: {  	v3 =	vld [tilespmem:$0x6300];
	v2 =	vadd.s32 v1, v2;
	_ =	sdelay $0x4  }
0xae: {  	s19 =	simm.s32 $0x0;
	s18 =	simm.s32 $0x0;
	[tilespmem:v2+s13+$0x0] =	vst.idx.add.f32.msk $0xffff, v3  }
0xaf: {  	s20 =	sand.u32 $0xFC0, s19;
	v2 =	vld [tilespmem:s18+$0x6380]  }
0xb0: {  	v3 =	vld [tilespmem:s20+$0x7380]  }
0xb1: {  	v4 =	vld [tilespmem:s18+$0x6390]  }
0xb2: {  	v5 =	vld [tilespmem:s20+$0x8380]  }
0xb3: {  	v6 =	vld [tilespmem:s18+$0x7390]  }
0xb4: {  	v7 =	vld [tilespmem:s20+$0x9380]  }
0xb5: {  	v8 =	vld [tilespmem:s18+$0x63A0]  }
0xb6: {  	v9 =	vld [tilespmem:s20+$0xA380]  }
0xb7: {  	v10 =	vld [tilespmem:s18+$0x73A0]  }
0xb8: {  	v11 =	vld [tilespmem:s20+$0xB380]  }
0xb9: {  	v12 =	vld [tilespmem:s18+$0x63B0]  }
0xba: {  	v13 =	vld [tilespmem:s20+$0xC380]  }
0xbb: {  	v14 =	vld [tilespmem:s18+$0x73B0]  }
0xbc: {  	v15 =	vld [tilespmem:s20+$0xD380]  }
0xbd: {  	v16 =	vld [tilespmem:s18+$0x8390]  }
0xbe: {  	v17 =	vld [tilespmem:s20+$0xE380]  }
0xbf: {  	v18 =	vld [tilespmem:s18+$0x83A0]  }
0xc0: {  	v19 =	vld [tilespmem:s20+$0xF380]  }
0xc1: {  	v20 =	vld [tilespmem:s18+$0x83B0]  }
0xc2: {  	v21 =	vld [tilespmem:s20+$0x10380]  }
0xc3: {  	v22 =	vld [tilespmem:s18+$0x9390]  }
0xc4: {  	v23 =	vld [tilespmem:s20+$0x11380]  }
0xc5: {  	v24 =	vld [tilespmem:s18+$0x93A0]  }
0xc6: {  	v25 =	vld [tilespmem:s20+$0x12380]  }
0xc7: {  	v26 =	vld [tilespmem:s18+$0x93B0]  }
0xc8: {  	v27 =	vld [tilespmem:s20+$0x13380]  }
0xc9: {  	v28 =	vld [tilespmem:s18+$0xA390]  }
0xca: {  	v29 =	vld [tilespmem:s20+$0x14380]  }
0xcb: {  	v30 =	vld [tilespmem:s18+$0xA3A0]  }
0xcc: {  	v31 =	vld [tilespmem:s20+$0x15380]  }
0xcd: {  	v32 =	vld [tilespmem:s18+$0xA3B0]  }
0xce: {  	v33 =	vld [tilespmem:s18+$0xB3A0];
	v2 =	vadd.f32 v3, v2  }
0xcf: {  	v34 =	vld [tilespmem:s18+$0xC390]  }
0xd0: {  	v35 =	vld [tilespmem:s18+$0xC3B0];
	v2 =	vadd.f32 v5, v2  }
0xd1: {  	v54 =	vld [tilespmem:s18+$0xE390]  }
0xd2: {  	v55 =	vld [tilespmem:s18+$0xE3A0];
	v2 =	vadd.f32 v7, v2  }
0xd3: {  	v56 =	vld [tilespmem:s18+$0xE3B0]  }
0xd4: {  	v57 =	vld [tilespmem:s18+$0xF390];
	v4 =	vadd.f32 v6, v4;
	v2 =	vadd.f32 v9, v2  }
0xd5: {  	v58 =	vld [tilespmem:s18+$0xF3A0];
	v8 =	vadd.f32 v10, v8;
	v9 =	vadd.f32 v14, v12  }
0xd6: {  	v59 =	vld [tilespmem:s18+$0x103A0];
	v4 =	vadd.f32 v16, v4;
	v2 =	vadd.f32 v11, v2  }
0xd7: {  	v3 =	vld [tilespmem:s18+$0xB390];
	v8 =	vadd.f32 v18, v8;
	v9 =	vadd.f32 v20, v9  }
0xd8: {  	v5 =	vld [tilespmem:s18+$0xB3B0];
	v4 =	vadd.f32 v22, v4;
	v2 =	vadd.f32 v13, v2  }
0xd9: {  	v6 =	vld [tilespmem:s18+$0xD390];
	v8 =	vadd.f32 v24, v8;
	v9 =	vadd.f32 v26, v9  }
0xda: {  	v7 =	vld [tilespmem:s18+$0xC3A0];
	v4 =	vadd.f32 v28, v4;
	v2 =	vadd.f32 v15, v2  }
0xdb: {  	v10 =	vld [tilespmem:s18+$0xD3A0];
	v8 =	vadd.f32 v30, v8;
	v9 =	vadd.f32 v32, v9  }
0xdc: {  	v11 =	vld [tilespmem:s18+$0xD3B0];
	v3 =	vadd.f32 v3, v4;
	v2 =	vadd.f32 v17, v2  }
0xdd: {  	v60 =	vld [tilespmem:s18+$0x12390];
	v8 =	vadd.f32 v33, v8;
	v5 =	vadd.f32 v5, v9  }
0xde: {  	v61 =	vld [tilespmem:s18+$0x123A0];
	v3 =	vadd.f32 v34, v3;
	v2 =	vadd.f32 v19, v2  }
0xdf: {  	v4 =	vld [tilespmem:s18+$0xF3B0];
	v7 =	vadd.f32 v7, v8;
	v5 =	vadd.f32 v35, v5  }
0xe0: {  	v8 =	vld [tilespmem:s18+$0x103B0];
	v3 =	vadd.f32 v6, v3;
	v2 =	vadd.f32 v21, v2  }
0xe1: {  	v7 =	vadd.f32 v10, v7;
	v9 =	vld [tilespmem:s18+$0x10390];
	v5 =	vadd.f32 v11, v5  }
0xe2: {  	v6 =	vld [tilespmem:s18+$0x11390];
	v3 =	vadd.f32 v54, v3;
	v2 =	vadd.f32 v23, v2  }
0xe3: {  	v10 =	vld [tilespmem:s18+$0x113A0];
	v7 =	vadd.f32 v55, v7;
	v5 =	vadd.f32 v56, v5  }
0xe4: {  	v3 =	vadd.f32 v57, v3;
	v11 =	vld [tilespmem:s18+$0x113B0];
	v2 =	vadd.f32 v25, v2  }
0xe5: {  	v62 =	vld [tilespmem:s18+$0x133B0];
	v7 =	vadd.f32 v58, v7;
	v4 =	vadd.f32 v4, v5  }
0xe6: {  	v3 =	vadd.f32 v9, v3;
	v5 =	vld [tilespmem:s18+$0x123B0];
	v2 =	vadd.f32 v27, v2  }
0xe7: {  	v7 =	vadd.f32 v59, v7;
	v9 =	vld [tilespmem:s18+$0x13390];
	v4 =	vadd.f32 v8, v4  }
0xe8: {  	v6 =	vadd.f32 v6, v3;
	v8 =	vld [tilespmem:s18+$0x133A0];
	v2 =	vadd.f32 v29, v2  }
0xe9: {  	v7 =	vadd.f32 v10, v7;
	v3 =	vld [tilespmem:s18+$0x14390];
	v4 =	vadd.f32 v11, v4  }
0xea: {  	v6 =	vadd.f32 v60, v6;
	v10 =	vadd.f32 v31, v2;
	v2 =	vld [tilespmem:s18+$0x143A0]  }
0xeb: {  	v11 =	vadd.f32 v61, v7;
	v63 =	vadd.f32 v5, v4;
	v4 =	vld [tilespmem:s18+$0x143B0]  }
0xec: {  	v7 =	vadd.f32 v9, v6;
	v5 =	vld [tilespmem:s18+$0x15390]  }
0xed: {  	s20 =	simm.s32 $0x100;
	v6 =	vld [tilespmem:s18+$0x153A0];
	v8 =	vadd.f32 v8, v11;
	[tilespmem:s18+$0x16380] =	vst v10;
	v9 =	vadd.f32 v62, v63  }
.LBB2_6:
0xee: {  	s19 =	sadd.s32 $0x40, s19;
	s22 =	sshra.s32 s20, $0x2;
	v3 =	vadd.f32 v3, v7;
	v7 =	vld [tilespmem:s18+$0x153B0]  }
0xef: {  	v10 =	vld [tilespmem:s22+$0x6380];
	s21 =	sand.u32 $0xFC0, s19;
	p0 =	slt.u32 s19, $0xFC0;
	v2 =	vadd.f32 v2, v8  }
0xf0: {  	v8 =	vld [tilespmem:s21+$0x7380];
	v4 =	vadd.f32 v4, v9  }
0xf1: {  	v9 =	vld [tilespmem:s22+$0x6390];
	v3 =	vadd.f32 v5, v3  }
0xf2: {  	v5 =	vld [tilespmem:s21+$0x8380];
	v2 =	vadd.f32 v6, v2  }
0xf3: {  	v6 =	vld [tilespmem:s22+$0x7390];
	[tilespmem:s18+$0x16390] =	vst v3;
	v3 =	vadd.f32 v7, v4  }
0xf4: {  	v4 =	vld [tilespmem:s21+$0x9380];
	[tilespmem:s18+$0x163A0] =	vst v2  }
0xf5: {  	v2 =	vadd.f32 v8, v10;
	v7 =	vld [tilespmem:s22+$0x63A0];
	[tilespmem:s18+$0x163B0] =	vst v3;
	s18 =	smov.u32 s22  }
0xf6: {  	v3 =	vld [tilespmem:s21+$0xA380]  }
0xf7: {  	v2 =	vadd.f32 v5, v2;
	v5 =	vld [tilespmem:s18+$0x73A0]  }
0xf8: {  	v8 =	vld [tilespmem:s21+$0xB380];
	v6 =	vadd.f32 v6, v9  }
0xf9: {  	v2 =	vadd.f32 v4, v2;
	v4 =	vld [tilespmem:s18+$0x63B0]  }
0xfa: {  	v9 =	vld [tilespmem:s21+$0xC380]  }
0xfb: {  	v2 =	vadd.f32 v3, v2;
	v3 =	vld [tilespmem:s18+$0x73B0]  }
0xfc: {  	v10 =	vld [tilespmem:s21+$0xD380];
	v5 =	vadd.f32 v5, v7  }
0xfd: {  	v2 =	vadd.f32 v8, v2;
	v7 =	vld [tilespmem:s18+$0x8390]  }
0xfe: {  	v8 =	vld [tilespmem:s21+$0xE380]  }
0xff: {  	v2 =	vadd.f32 v9, v2;
	v9 =	vld [tilespmem:s18+$0x83A0]  }
0x100: {  	v11 =	vld [tilespmem:s21+$0xF380];
	v3 =	vadd.f32 v3, v4  }
0x101: {  	v2 =	vadd.f32 v10, v2;
	v4 =	vld [tilespmem:s18+$0x83B0]  }
0x102: {  	v10 =	vld [tilespmem:s21+$0x10380];
	v6 =	vadd.f32 v7, v6  }
0x103: {  	v2 =	vadd.f32 v8, v2;
	v7 =	vld [tilespmem:s18+$0x9390]  }
0x104: {  	v8 =	vld [tilespmem:s21+$0x11380];
	v5 =	vadd.f32 v9, v5  }
0x105: {  	v2 =	vadd.f32 v11, v2;
	v9 =	vld [tilespmem:s18+$0x93A0]  }
0x106: {  	v11 =	vld [tilespmem:s21+$0x12380];
	v3 =	vadd.f32 v4, v3  }
0x107: {  	v2 =	vadd.f32 v10, v2;
	v4 =	vld [tilespmem:s18+$0x93B0]  }
0x108: {  	v10 =	vld [tilespmem:s21+$0x13380];
	v6 =	vadd.f32 v7, v6  }
0x109: {  	v2 =	vadd.f32 v8, v2;
	v7 =	vld [tilespmem:s18+$0xA390]  }
0x10a: {  	v8 =	vld [tilespmem:s21+$0x14380];
	v5 =	vadd.f32 v9, v5  }
0x10b: {  	v2 =	vadd.f32 v11, v2;
	v9 =	vld [tilespmem:s18+$0xA3A0]  }
0x10c: {  	v11 =	vld [tilespmem:s21+$0x15380];
	v3 =	vadd.f32 v4, v3  }
0x10d: {  	v2 =	vadd.f32 v10, v2;
	v4 =	vld [tilespmem:s18+$0xA3B0]  }
0x10e: {  	v6 =	vadd.f32 v7, v6;
	v7 =	vld [tilespmem:s18+$0xB390]  }
0x10f: {  	v2 =	vadd.f32 v8, v2;
	v8 =	vld [tilespmem:s18+$0xB3A0]  }
0x110: {  	v5 =	vadd.f32 v9, v5;
	v9 =	vld [tilespmem:s18+$0xB3B0]  }
0x111: {  	v2 =	vadd.f32 v11, v2;
	v10 =	vld [tilespmem:s18+$0xC390]  }
0x112: {  	v11 =	vld [tilespmem:s18+$0xC3A0];
	v3 =	vadd.f32 v4, v3  }
0x113: {  	[tilespmem:s18+$0x16380] =	vst v2;
	v2 =	vadd.f32 v7, v6;
	v4 =	vld [tilespmem:s18+$0xC3B0]  }
0x114: {  	v6 =	vld [tilespmem:s18+$0xD390];
	v5 =	vadd.f32 v8, v5  }
0x115: {  	v7 =	vld [tilespmem:s18+$0xD3A0];
	v3 =	vadd.f32 v9, v3  }
0x116: {  	v2 =	vadd.f32 v10, v2;
	v8 =	vld [tilespmem:s18+$0xD3B0]  }
0x117: {  	v9 =	vld [tilespmem:s18+$0xE390];
	v5 =	vadd.f32 v11, v5  }
0x118: {  	v10 =	vld [tilespmem:s18+$0xE3A0];
	v3 =	vadd.f32 v4, v3  }
0x119: {  	v2 =	vadd.f32 v6, v2;
	v4 =	vld [tilespmem:s18+$0xE3B0]  }
0x11a: {  	v6 =	vld [tilespmem:s18+$0xF390];
	v5 =	vadd.f32 v7, v5  }
0x11b: {  	v7 =	vld [tilespmem:s18+$0xF3A0];
	v3 =	vadd.f32 v8, v3  }
0x11c: {  	v2 =	vadd.f32 v9, v2;
	v8 =	vld [tilespmem:s18+$0xF3B0]  }
0x11d: {  	v9 =	vld [tilespmem:s18+$0x10390];
	v5 =	vadd.f32 v10, v5  }
0x11e: {  	v10 =	vld [tilespmem:s18+$0x103A0];
	v3 =	vadd.f32 v4, v3  }
0x11f: {  	v2 =	vadd.f32 v6, v2;
	v4 =	vld [tilespmem:s18+$0x103B0]  }
0x120: {  	v6 =	vld [tilespmem:s18+$0x11390];
	v5 =	vadd.f32 v7, v5  }
0x121: {  	v7 =	vld [tilespmem:s18+$0x113A0];
	v3 =	vadd.f32 v8, v3  }
0x122: {  	v2 =	vadd.f32 v9, v2;
	v8 =	vld [tilespmem:s18+$0x113B0]  }
0x123: {  	v9 =	vld [tilespmem:s18+$0x12390];
	v5 =	vadd.f32 v10, v5  }
0x124: {  	v10 =	vld [tilespmem:s18+$0x123A0];
	v3 =	vadd.f32 v4, v3  }
0x125: {  	v2 =	vadd.f32 v6, v2;
	v4 =	vld [tilespmem:s18+$0x123B0]  }
0x126: {  	v6 =	vld [tilespmem:s18+$0x13390];
	v5 =	vadd.f32 v7, v5  }
0x127: {  	v11 =	vld [tilespmem:s18+$0x133A0];
	v7 =	vadd.f32 v8, v3  }
0x128: {  	v8 =	vadd.f32 v9, v2;
	v9 =	vld [tilespmem:s18+$0x133B0]  }
.Ltmp2:
0x129: {  	v3 =	vld [tilespmem:s18+$0x14390];
	v10 =	vadd.f32 v10, v5;
	(pc) =	sbr.rel @p0 .LBB2_6-.Ltmp2, $4  }
0x12a: {  	v2 =	vld [tilespmem:s18+$0x143A0];
	v12 =	vadd.f32 v4, v7  }
0x12b: {  	v7 =	vadd.f32 v6, v8;
	v4 =	vld [tilespmem:s18+$0x143B0]  }
0x12c: {  	v5 =	vld [tilespmem:s18+$0x15390];
	v8 =	vadd.f32 v11, v10  }
0x12d: {  	s20 =	sadd.s32 $0x100, s20;
	v6 =	vld [tilespmem:s18+$0x153A0];
	v9 =	vadd.f32 v9, v12  }
0x12e: {  	v10 =	vld [tilespmem:s18+$0x153B0]  }
0x12f: {  	v3 =	vadd.f32 v3, v7  }
0x130: {  	v2 =	vadd.f32 v2, v8  }
0x131: {  	v4 =	vadd.f32 v4, v9;
	v3 =	vadd.f32 v5, v3  }
0x132: {  	v2 =	vadd.f32 v6, v2  }
0x133: {  	s17 =	sadd.s32 $0x1, s17;
	[tilespmem:s18+$0x16390] =	vst v3;
	v3 =	vadd.f32 v10, v4  }
0x134: {  	p0 =	sne.s32 s17, s8;
	[tilespmem:s18+$0x163A0] =	vst v2  }
.Ltmp3:
0x135: {  	[tilespmem:s18+$0x163B0] =	vst v3;
	(pc) =	sbr.rel @p0 .LBB2_1-.Ltmp3, $4  }
0x136: {  	[hbm4b:s7+s14] =	stream.strided.scatter [tilespmem:s16], [sflag:$0x1], $0x1000, s15, s14, $0x38;
	[tilespmem:$0x17380] =	vst v63  }
0x137: {  	_ =	swait.ge [sflag:s9], $0x1000  }
0x138: {  	[sflag:s9] =	ssyncset.done $0x0  }
0x139: {  	[sflag:s9] =	ssyncadd.s32 $0xFFFFF000  }
0x13a: {  	_ =	sfence.sel $0x180000  }
0x13b: {  	[bflag:$0x0] =	sbarrier.arrive $0xFFFF  }
0x13c: {  	p0 =	sne.s32 s0, $0x0;
	_ =	strace $0x90000047  }
0x13d: {  	s0 =	sadd.s32 @!p0 $0x100000, s2;
	[bflag:$0x2] =	sbarrier.arrive $0xFFFF  }
0x13e: {  	[sflag:s0] =	ssyncadd.tile.s32 @!p0 $0x1;
	_ =	shalt  }
.Lfunc_end2:
_tile_overlayer_lowered:
.L_overlay_start_2:
0x13f: {  	(tag) =	ssettag $0x2  }
0x140: {  	s0 =	rddreg [dreg:$0x0];
	s2 =	stileid.u32  }
0x141: {  	s1 =	rddreg [dreg:$0x1];
	p0 =	sne.s32 s2, $0x0  }
0x142: {  	s3 =	rddreg [dreg:$0x2];
	[bflag:$0x3] =	sbarrier.arrive $0xFFFF;
	s2 =	simm.s32 @!p0 $0x1C01  }
0x143: {  	[timem:s3], [sflag:s2] =	dma.local @!p0 [hbm:s0], s1  }
0x144: {  	s0 =	simm.s32 @!p0 $0x1  }
0x145: {  	_ =	swait.ge @!p0 [sflag:s0], s1  }
0x146: {  	s1 =	ssub.s32 @!p0 $0x0, s1;
	[sflag:s0] =	ssyncset.done @!p0 $0x0  }
0x147: {  	[sflag:s0] =	ssyncadd.s32 @!p0 s1  }
0x148: {  	[bflag:$0x3] =	sbarrier.arrive $0xFFFF  }
0x149: {  	_ =	shalt  }

</sc_bundles>
